<compile_context>
chip_gen: v7x
topology: tpu7x:2x2x1
jax: 0.10.2.dev20260603
libtpu: 0.0.44.dev20260713+nightly
codegen_flags: <defaults>
</compile_context>

<pallas_src>
import functools

import jax
import jax.numpy as jnp
from jax import lax
from jax.experimental import pallas as pl
from jax.experimental.pallas import tpu as pltpu
from jax.experimental.pallas import tpu_sc as plsc

T, DIM, E, HID = 2048, 768, 8, 1024
TBLK = 1024
NTB = T // TBLK
R = 512
NBLK = T * 2 // R + E
PMAX = NBLK * R

NW = 32
TOK_W = T // NW
CH = 32


HALF = DIM // 2


def _pack_bf16(v):
    u = jax.lax.bitcast_convert_type(v, jnp.uint32)

    def rne(w):
        return (w + jnp.uint32(0x7FFF) + ((w >> 16) & jnp.uint32(1))) & jnp.uint32(0xFFFF0000)

    packed = rne(u[..., HALF:]) | (rne(u[..., :HALF]) >> 16)
    return jax.lax.bitcast_convert_type(packed, jnp.int32)


def _unpack_bf16(p):
    u = jax.lax.bitcast_convert_type(p, jnp.uint32)
    lo = jax.lax.bitcast_convert_type(u << 16, jnp.float32)
    hi = jax.lax.bitcast_convert_type(u & jnp.uint32(0xFFFF0000), jnp.float32)
    return jnp.concatenate([lo, hi], axis=-1)


def _shift_down(a, s):
    return jnp.concatenate([jnp.zeros((s,) + a.shape[1:], a.dtype), a[:-s]], axis=0)


def _shift_right_lanes(a, s):
    return jnp.concatenate([jnp.zeros(a.shape[:-1] + (s,), a.dtype), a[..., :-s]], axis=-1)


def _rm_body(x_ref, wr_ref,
             w01_ref, pos_ref, blk_ref, xbf_ref,
             sidx, hist, carry):
    ph = pl.program_id(0)
    tb = pl.program_id(1)
    lane = jax.lax.broadcasted_iota(jnp.int32, (TBLK, 128), 1)
    lane1 = jax.lax.broadcasted_iota(jnp.int32, (1, 128), 1)
    row = jax.lax.broadcasted_iota(jnp.int32, (8, TBLK), 0)

    @pl.when(ph == 0)
    def _():
        @pl.when(tb == 0)
        def _():
            hist[...] = jnp.zeros_like(hist)
            carry[...] = jnp.zeros_like(carry)

        xbf_ref[...] = _pack_bf16(x_ref[...])
        logits = jnp.dot(x_ref[...], wr_ref[...], preferred_element_type=jnp.float32)
        neg = jnp.float32(-1e30)
        l = jnp.where(lane < E, logits, neg)
        m0 = jnp.max(l, axis=-1, keepdims=True)
        i0 = jnp.min(jnp.where(l == m0, lane, jnp.int32(10**9)), axis=-1, keepdims=True)
        l2 = jnp.where(lane == i0, neg, l)
        m1 = jnp.max(l2, axis=-1, keepdims=True)
        i1 = jnp.min(jnp.where(l2 == m1, lane, jnp.int32(10**9)), axis=-1, keepdims=True)
        w0 = jax.nn.sigmoid(m0 - m1)
        i0r = jnp.broadcast_to(i0[:, 0][None, :], (8, TBLK))
        i1r = jnp.broadcast_to(i1[:, 0][None, :], (8, TBLK))
        packed = jnp.where(row == 0, i0r, jnp.where(row == 1, i1r, 0))
        sidx[:, pl.ds(tb * TBLK, TBLK)] = packed
        w0b = jnp.broadcast_to(w0, (TBLK, 16))
        w01_ref[...] = jnp.concatenate([w0b[None], (1.0 - w0b)[None]], axis=0)
        cnt = (lane == i0).astype(jnp.int32) + (lane == i1).astype(jnp.int32)
        hist[...] += jnp.sum(cnt, axis=0, keepdims=True)

    @pl.when(ph == 1)
    def _():
        tot = hist[...]
        sizes = ((tot + (R - 1)) // R) * R
        sizes = jnp.where(lane1 < E, sizes, 0)
        incl = sizes
        for s in (1, 2, 4):
            incl = incl + _shift_right_lanes(incl, s)
        poff = incl - sizes

        @pl.when(tb == 0)
        def _():
            pb = poff // R
            acc = jnp.full((1, 128), -1, jnp.int32)
            for e in range(E):
                pe = jnp.sum(jnp.where(lane1 == e, pb, 0))
                acc = acc + (lane1 >= pe).astype(jnp.int32)
            nused = jnp.sum(jnp.where(lane1 < E, sizes, 0)) // R
            blk_ref[...] = jnp.where(lane1 == 120, nused, acc)[None]

        i0 = sidx[0, pl.ds(tb * TBLK, TBLK)][:, None]
        i1 = sidx[1, pl.ds(tb * TBLK, TBLK)][:, None]
        cnt = (lane == i0).astype(jnp.int32) + (lane == i1).astype(jnp.int32)
        incl = cnt
        s = 1
        while s < TBLK:
            incl = incl + _shift_down(incl, s)
            s *= 2
        ec = incl - cnt
        base = poff + carry[...] + ec
        pos0 = jnp.sum(jnp.where(lane == i0, base, 0), axis=-1)
        pos1 = jnp.sum(jnp.where(lane == i1, base, 0), axis=-1)
        carry[...] += jnp.sum(cnt, axis=0, keepdims=True)
        p0r = jnp.broadcast_to(pos0[None, :], (8, TBLK))
        p1r = jnp.broadcast_to(pos1[None, :], (8, TBLK))
        pos_ref[...] = jnp.where(row == 0, p0r, jnp.where(row == 1, p1r, 0))


def _router_meta(x2, wr_pad):
    return pl.pallas_call(
        _rm_body,
        grid=(2, NTB),
        in_specs=[
            pl.BlockSpec((TBLK, DIM), lambda p, tb: (tb, 0)),
            pl.BlockSpec((DIM, 128), lambda p, tb: (0, 0)),
        ],
        out_specs=[
            pl.BlockSpec((2, TBLK, 16), lambda p, tb: (0, jnp.where(p == 0, tb, NTB - 1), 0)),
            pl.BlockSpec((8, TBLK), lambda p, tb: (0, jnp.where(p == 1, tb, 0))),
            pl.BlockSpec((1, 1, 128), lambda p, tb: (0, 0, 0)),
            pl.BlockSpec((TBLK, HALF), lambda p, tb: (jnp.where(p == 0, tb, NTB - 1), 0)),
        ],
        out_shape=[
            jax.ShapeDtypeStruct((2, T, 16), jnp.float32),
            jax.ShapeDtypeStruct((8, T), jnp.int32),
            jax.ShapeDtypeStruct((1, 1, 128), jnp.int32),
            jax.ShapeDtypeStruct((T, HALF), jnp.int32),
        ],
        scratch_shapes=[
            pltpu.VMEM((8, T), jnp.int32),
            pltpu.VMEM((1, 128), jnp.int32),
            pltpu.VMEM((1, 128), jnp.int32),
        ],
    )(x2, wr_pad)


def _shared_body(x_ref, w1s_ref, w3s_ref, w2s_ref, shared_ref):
    x = x_ref[...]
    h = jax.nn.silu(jnp.dot(x, w1s_ref[...], preferred_element_type=jnp.float32))
    g = jnp.dot(x, w3s_ref[...], preferred_element_type=jnp.float32)
    shared_ref[...] = _pack_bf16(jnp.dot(h * g, w2s_ref[...], preferred_element_type=jnp.float32))


def _shared_expert(x2, w1s, w3s, w2s, part):
    return pl.pallas_call(
        _shared_body,
        grid=(1,),
        in_specs=[
            pl.BlockSpec((TBLK, DIM), lambda tb: (part, 0)),
            pl.BlockSpec((DIM, HID), lambda tb: (0, 0)),
            pl.BlockSpec((DIM, HID), lambda tb: (0, 0)),
            pl.BlockSpec((HID, DIM), lambda tb: (0, 0)),
        ],
        out_specs=pl.BlockSpec((TBLK, HALF), lambda tb: (0, 0)),
        out_shape=jax.ShapeDtypeStruct((TBLK, HALF), jnp.int32),
    )(x2, w1s, w3s, w2s)


def _dispatch_body(x_hbm, pos_hbm, xs_hbm, p0v, p1v, xbuf, sem):
    wid = lax.axis_index("s") * 2 + lax.axis_index("c")
    base = wid * TOK_W
    pltpu.sync_copy(pos_hbm.at[0, pl.ds(base, TOK_W)], p0v)
    pltpu.sync_copy(pos_hbm.at[1, pl.ds(base, TOK_W)], p1v)
    pltpu.sync_copy(x_hbm.at[pl.ds(base, TOK_W)], xbuf)
    c0 = pltpu.async_copy(xbuf, xs_hbm.at[p0v], sem)
    c1 = pltpu.async_copy(xbuf, xs_hbm.at[p1v], sem)
    c0.wait()
    c1.wait()


def _dispatch(xbf, pos):
    mesh = plsc.VectorSubcoreMesh(core_axis_name="c", subcore_axis_name="s")
    f = functools.partial(
        pl.kernel,
        out_type=jax.ShapeDtypeStruct((PMAX, HALF), jnp.int32),
        mesh=mesh,
        scratch_types=[
            pltpu.VMEM((TOK_W,), jnp.int32),
            pltpu.VMEM((TOK_W,), jnp.int32),
            pltpu.VMEM((TOK_W, HALF), jnp.int32),
            pltpu.SemaphoreType.DMA,
        ],
    )(_dispatch_body)
    return f(xbf, pos)


def _experts_body(blk_ref, xs_ref, W1_ref, W2_ref, W3_ref, ys_ref):
    b = pl.program_id(0)

    @pl.when(b < blk_ref[120])
    def _():
        xv = _unpack_bf16(xs_ref[...])
        h = jax.nn.silu(jnp.dot(xv, W1_ref[0], preferred_element_type=jnp.float32))
        g = jnp.dot(xv, W3_ref[0], preferred_element_type=jnp.float32)
        y = jnp.dot(h * g, W2_ref[0], preferred_element_type=jnp.float32)
        ys_ref[...] = _pack_bf16(y)


def _experts(xs, blk_exp, W1, W2, W3):
    grid_spec = pltpu.PrefetchScalarGridSpec(
        num_scalar_prefetch=1,
        grid=(NBLK,),
        in_specs=[
            pl.BlockSpec((R, HALF), lambda b, blk: (b, 0)),
            pl.BlockSpec((1, DIM, HID), lambda b, blk: (blk[b], 0, 0)),
            pl.BlockSpec((1, HID, DIM), lambda b, blk: (blk[b], 0, 0)),
            pl.BlockSpec((1, DIM, HID), lambda b, blk: (blk[b], 0, 0)),
        ],
        out_specs=pl.BlockSpec((R, HALF), lambda b, blk: (b, 0)),
    )
    return pl.pallas_call(
        _experts_body,
        grid_spec=grid_spec,
        out_shape=jax.ShapeDtypeStruct((PMAX, HALF), jnp.int32),
    )(blk_exp, xs, W1, W2, W3)


def _gather_body(ys_hbm, pos_hbm, y0_hbm, y1_hbm, p0v, p1v, t0, t1, sem):
    wid = lax.axis_index("s") * 2 + lax.axis_index("c")
    for c in range(TOK_W // CH):
        base = wid * TOK_W + c * CH
        pltpu.sync_copy(pos_hbm.at[0, pl.ds(base, CH)], p0v)
        pltpu.sync_copy(pos_hbm.at[1, pl.ds(base, CH)], p1v)
        g0 = pltpu.async_copy(ys_hbm.at[p0v], t0, sem)
        g1 = pltpu.async_copy(ys_hbm.at[p1v], t1, sem)
        g0.wait()
        g1.wait()
        pltpu.sync_copy(t0, y0_hbm.at[pl.ds(base, CH)])
        pltpu.sync_copy(t1, y1_hbm.at[pl.ds(base, CH)])


def _gather(ys, pos):
    mesh = plsc.VectorSubcoreMesh(core_axis_name="c", subcore_axis_name="s")
    f = functools.partial(
        pl.kernel,
        out_type=[
            jax.ShapeDtypeStruct((T, HALF), jnp.int32),
            jax.ShapeDtypeStruct((T, HALF), jnp.int32),
        ],
        mesh=mesh,
        scratch_types=[
            pltpu.VMEM((CH,), jnp.int32),
            pltpu.VMEM((CH,), jnp.int32),
            pltpu.VMEM((CH, HALF), jnp.int32),
            pltpu.VMEM((CH, HALF), jnp.int32),
            pltpu.SemaphoreType.DMA,
        ],
    )(_gather_body)
    return f(ys, pos)


def _final_body(sh0_ref, sh1_ref, y0_ref, y1_ref, w01_ref, out_ref):
    tb = pl.program_id(0)
    w0 = w01_ref[0, :, :1]
    w1 = w01_ref[1, :, :1]
    y0 = _unpack_bf16(y0_ref[...])
    y1 = _unpack_bf16(y1_ref[...])
    sh = jnp.where(tb == 0, _unpack_bf16(sh0_ref[...]), _unpack_bf16(sh1_ref[...]))
    out_ref[...] = sh + w0 * y0 + w1 * y1


def _final(sh0, sh1, y0, y1, w01):
    return pl.pallas_call(
        _final_body,
        grid=(NTB,),
        in_specs=[
            pl.BlockSpec((TBLK, HALF), lambda tb: (0, 0)),
            pl.BlockSpec((TBLK, HALF), lambda tb: (0, 0)),
            pl.BlockSpec((TBLK, HALF), lambda tb: (tb, 0)),
            pl.BlockSpec((TBLK, HALF), lambda tb: (tb, 0)),
            pl.BlockSpec((2, TBLK, 16), lambda tb: (0, tb, 0)),
        ],
        out_specs=pl.BlockSpec((TBLK, DIM), lambda tb: (tb, 0)),
        out_shape=jax.ShapeDtypeStruct((T, DIM), jnp.float32),
    )(sh0, sh1, y0, y1, w01)


def kernel(x, w1s, w2s, w3s, W1, W2, W3, Wr):
    x2 = x.reshape(T, DIM)
    wr_pad = jnp.pad(Wr, ((0, 0), (0, 128 - E)))
    w01, pos, blk3, xbf = _router_meta(x2, wr_pad)
    blk_exp = blk3.reshape(128)
    xs = _dispatch(xbf, pos)
    sh0 = _shared_expert(x2, w1s, w3s, w2s, 0)
    ys = _experts(xs, blk_exp, W1, W2, W3)
    y0, y1 = _gather(ys, pos)
    sh1 = _shared_expert(x2, w1s, w3s, w2s, 1)
    out = _final(sh0, sh1, y0, y1, w01)
    return out.reshape(x.shape)

# --- scband reference (transcript-rebuilt; emitter-appended) ---
"""Pipeline reference for scband-mo-elayer-68204080660481 (READ-ONLY COPY).

The authoritative reference and input builder live on the scoring server;
editing this copy changes nothing except your own understanding.
"""

import jax, jax.numpy as jnp
import numpy as np

B, T, DIM = 1, 2048, 768
E, TOPK = 8, 2
NUM_ACTIVATED = 1 + TOPK
HID = DIM * 4 // NUM_ACTIVATED  # 1024


def setup_inputs(seed: int = 0) -> dict:
    key = jax.random.key(seed)
    ks = jax.random.split(key, 8)
    s = 0.02
    x = jax.random.normal(ks[0], (B, T, DIM), dtype=jnp.float32)
    w1s = jax.random.normal(ks[1], (DIM, HID), dtype=jnp.float32) * s
    w2s = jax.random.normal(ks[2], (HID, DIM), dtype=jnp.float32) * s
    w3s = jax.random.normal(ks[3], (DIM, HID), dtype=jnp.float32) * s
    W1 = jax.random.normal(ks[4], (E, DIM, HID), dtype=jnp.float32) * s
    W2 = jax.random.normal(ks[5], (E, HID, DIM), dtype=jnp.float32) * s
    W3 = jax.random.normal(ks[6], (E, DIM, HID), dtype=jnp.float32) * s
    Wr = jax.random.normal(ks[7], (DIM, E), dtype=jnp.float32) * s
    return {"x": x, "w1s": w1s, "w2s": w2s, "w3s": w3s,
            "W1": W1, "W2": W2, "W3": W3, "Wr": Wr}


def _moe(x, w1s, w2s, w3s, W1, W2, W3, Wr):
    # shared expert: SwiGLU
    shared = (jax.nn.silu(x @ w1s) * (x @ w3s)) @ w2s
    # router (eval mode: no noise, no aux loss)
    logits = x @ Wr                              # [B, T, E]
    probs = jax.nn.softmax(logits, axis=-1)
    vals, idx = jax.lax.top_k(probs, TOPK)       # [B, T, TOPK]
    vals = vals / jnp.sum(vals, axis=-1, keepdims=True)
    # scatter top-k weights into dense [B, T, E] routing matrix
    w_full = jnp.sum(vals[..., None] * jax.nn.one_hot(idx, E, dtype=x.dtype), axis=-2)
    # all-expert SwiGLU (dense-equivalent of masked dispatch)
    h = jnp.einsum('btd,edh->ebth', x, W1)
    g = jnp.einsum('btd,edh->ebth', x, W3)
    y = jnp.einsum('ebth,ehd->ebtd', jax.nn.silu(h) * g, W2)
    out = shared + jnp.einsum('ebtd,bte->btd', y, w_full)
    return out


def reference(x, w1s, w2s, w3s, W1, W2, W3, Wr):
    return _moe(x, w1s, w2s, w3s, W1, W2, W3, Wr)

if __name__ == "__main__":
    import jax
    _d = setup_inputs()
    print(jax.jit(kernel)(*tuple(_d.values())))

</pallas_src>

<mosaic_0001>
#map = affine_map<(d0, d1) -> (0, 0)>
module attributes {stable_mosaic.version = 14 : i64} {
  func.func @_gather_body(%arg0: i32, %arg1: i32, %arg2: memref<8192x384xi32, #tpu.memory_space<hbm>>, %arg3: memref<8x2048xi32, #tpu.memory_space<hbm>>, %arg4: memref<2048x384xi32, #tpu.memory_space<hbm>>, %arg5: memref<2048x384xi32, #tpu.memory_space<hbm>>, %arg6: memref<32xi32, #tpu.memory_space<vmem>>, %arg7: memref<32xi32, #tpu.memory_space<vmem>>, %arg8: memref<32x384xi32, #tpu.memory_space<vmem>>, %arg9: memref<32x384xi32, #tpu.memory_space<vmem>>, %arg10: memref<!tpu.dma_semaphore, #tpu.memory_space<semaphore_mem>>) attributes {dimension_semantics = [#tpu.dimension_semantics<core_parallel>, #tpu.dimension_semantics<subcore_parallel>], iteration_bounds = array<i64: 2, 16>, scalar_prefetch = 0 : i64, scratch_operands = 5 : i64, tpu.core_type = #tpu.core_type<sc_vector_subcore>, window_params = [{transform_indices = #map}, {transform_indices = #map}, {transform_indices = #map}, {transform_indices = #map}]} {
    %mul3A = arith.constant 2 : i32
    %mul3A_0 = arith.muli %arg1, %mul3A : i32
    %add3A = arith.addi %mul3A_0, %arg0 : i32
    %mul3A_1 = arith.constant 64 : i32
    %mul3A_2 = arith.muli %add3A, %mul3A_1 : i32
    %add3A_3 = arith.constant 0 : i32
    %add3A_4 = arith.addi %mul3A_2, %add3A_3 : i32
    %run_scoped3A = arith.constant 0 : i32
    "tpu.region"() ({
      %run_scoped3A_34 = tpu.sem_alloc : memref<!tpu.dma_semaphore, #tpu.memory_space<semaphore_mem>>
      %dma_start3A_35 = tpu.memref_slice %arg3[%run_scoped3A, %add3A_4] : memref<8x2048xi32, #tpu.memory_space<hbm>> -> memref<1x32xi32, #tpu.memory_space<hbm>>
      %dma_start3A_36 = tpu.memref_squeeze %dma_start3A_35 : memref<1x32xi32, #tpu.memory_space<hbm>> -> memref<32xi32, #tpu.memory_space<hbm>>
      %dma_start3A_37 = tpu.memref_slice %arg3[%run_scoped3A, %add3A_4] : memref<8x2048xi32, #tpu.memory_space<hbm>> -> memref<1x32xi32, #tpu.memory_space<hbm>>
      %dma_start3A_38 = tpu.memref_squeeze %dma_start3A_37 : memref<1x32xi32, #tpu.memory_space<hbm>> -> memref<32xi32, #tpu.memory_space<hbm>>
      tpu.enqueue_dma source(%dma_start3A_38 : memref<32xi32, #tpu.memory_space<hbm>>) target(%arg6 : memref<32xi32, #tpu.memory_space<vmem>>) target_semaphore(%run_scoped3A_34 : memref<!tpu.dma_semaphore, #tpu.memory_space<semaphore_mem>>)
      %dma_wait3A_39 = tpu.memref_slice %arg3[%run_scoped3A, %add3A_4] : memref<8x2048xi32, #tpu.memory_space<hbm>> -> memref<1x32xi32, #tpu.memory_space<hbm>>
      %dma_wait3A_40 = tpu.memref_squeeze %dma_wait3A_39 : memref<1x32xi32, #tpu.memory_space<hbm>> -> memref<32xi32, #tpu.memory_space<hbm>>
      %dma_wait3A_41 = tpu.memref_slice %arg3[%run_scoped3A, %add3A_4] : memref<8x2048xi32, #tpu.memory_space<hbm>> -> memref<1x32xi32, #tpu.memory_space<hbm>>
      %dma_wait3A_42 = tpu.memref_squeeze %dma_wait3A_41 : memref<1x32xi32, #tpu.memory_space<hbm>> -> memref<32xi32, #tpu.memory_space<hbm>>
      tpu.wait_dma2 semaphore(%run_scoped3A_34 : memref<!tpu.dma_semaphore, #tpu.memory_space<semaphore_mem>>) src(%dma_wait3A_42 : memref<32xi32, #tpu.memory_space<hbm>>) dst(%arg6 : memref<32xi32, #tpu.memory_space<vmem>>)
      tpu.yield
    }) : () -> ()
    %run_scoped3A_5 = arith.constant 1 : i32
    "tpu.region"() ({
      %run_scoped3A_34 = tpu.sem_alloc : memref<!tpu.dma_semaphore, #tpu.memory_space<semaphore_mem>>
      %dma_start3A_35 = tpu.memref_slice %arg3[%run_scoped3A_5, %add3A_4] : memref<8x2048xi32, #tpu.memory_space<hbm>> -> memref<1x32xi32, #tpu.memory_space<hbm>>
      %dma_start3A_36 = tpu.memref_squeeze %dma_start3A_35 : memref<1x32xi32, #tpu.memory_space<hbm>> -> memref<32xi32, #tpu.memory_space<hbm>>
      %dma_start3A_37 = tpu.memref_slice %arg3[%run_scoped3A_5, %add3A_4] : memref<8x2048xi32, #tpu.memory_space<hbm>> -> memref<1x32xi32, #tpu.memory_space<hbm>>
      %dma_start3A_38 = tpu.memref_squeeze %dma_start3A_37 : memref<1x32xi32, #tpu.memory_space<hbm>> -> memref<32xi32, #tpu.memory_space<hbm>>
      tpu.enqueue_dma source(%dma_start3A_38 : memref<32xi32, #tpu.memory_space<hbm>>) target(%arg7 : memref<32xi32, #tpu.memory_space<vmem>>) target_semaphore(%run_scoped3A_34 : memref<!tpu.dma_semaphore, #tpu.memory_space<semaphore_mem>>)
      %dma_wait3A_39 = tpu.memref_slice %arg3[%run_scoped3A_5, %add3A_4] : memref<8x2048xi32, #tpu.memory_space<hbm>> -> memref<1x32xi32, #tpu.memory_space<hbm>>
      %dma_wait3A_40 = tpu.memref_squeeze %dma_wait3A_39 : memref<1x32xi32, #tpu.memory_space<hbm>> -> memref<32xi32, #tpu.memory_space<hbm>>
      %dma_wait3A_41 = tpu.memref_slice %arg3[%run_scoped3A_5, %add3A_4] : memref<8x2048xi32, #tpu.memory_space<hbm>> -> memref<1x32xi32, #tpu.memory_space<hbm>>
      %dma_wait3A_42 = tpu.memref_squeeze %dma_wait3A_41 : memref<1x32xi32, #tpu.memory_space<hbm>> -> memref<32xi32, #tpu.memory_space<hbm>>
      tpu.wait_dma2 semaphore(%run_scoped3A_34 : memref<!tpu.dma_semaphore, #tpu.memory_space<semaphore_mem>>) src(%dma_wait3A_42 : memref<32xi32, #tpu.memory_space<hbm>>) dst(%arg7 : memref<32xi32, #tpu.memory_space<vmem>>)
      tpu.yield
    }) : () -> ()
    %dma_start3A = arith.constant 0 : i32
    %dma_start3A_6 = arith.constant 0 : i32
    %dma_start3A_7 = tpu.memref_slice %arg2[%dma_start3A, %dma_start3A_6] : memref<8192x384xi32, #tpu.memory_space<hbm>> -> memref<8192x384xi32, #tpu.memory_space<hbm>>
    tpu.enqueue_indirect_dma source(%dma_start3A_7 : memref<8192x384xi32, #tpu.memory_space<hbm>>) target(%arg8 : memref<32x384xi32, #tpu.memory_space<vmem>>) offsets(%arg6 : memref<32xi32, #tpu.memory_space<vmem>>) semaphore(%arg10 : memref<!tpu.dma_semaphore, #tpu.memory_space<semaphore_mem>>)
    %dma_start3A_8 = arith.constant 0 : i32
    %dma_start3A_9 = arith.constant 0 : i32
    %dma_start3A_10 = tpu.memref_slice %arg2[%dma_start3A_8, %dma_start3A_9] : memref<8192x384xi32, #tpu.memory_space<hbm>> -> memref<8192x384xi32, #tpu.memory_space<hbm>>
    tpu.enqueue_indirect_dma source(%dma_start3A_10 : memref<8192x384xi32, #tpu.memory_space<hbm>>) target(%arg9 : memref<32x384xi32, #tpu.memory_space<vmem>>) offsets(%arg7 : memref<32xi32, #tpu.memory_space<vmem>>) semaphore(%arg10 : memref<!tpu.dma_semaphore, #tpu.memory_space<semaphore_mem>>)
    %dma_wait3A = arith.constant 0 : i32
    %dma_wait3A_11 = arith.constant 0 : i32
    %dma_wait3A_12 = tpu.memref_slice %arg2[%dma_wait3A, %dma_wait3A_11] : memref<8192x384xi32, #tpu.memory_space<hbm>> -> memref<8192x384xi32, #tpu.memory_space<hbm>>
    tpu.wait_indirect_dma semaphore(%arg10 : memref<!tpu.dma_semaphore, #tpu.memory_space<semaphore_mem>>) src(%dma_wait3A_12 : memref<8192x384xi32, #tpu.memory_space<hbm>>) dst(%arg8 : memref<32x384xi32, #tpu.memory_space<vmem>>)
    %dma_wait3A_13 = arith.constant 0 : i32
    %dma_wait3A_14 = arith.constant 0 : i32
    %dma_wait3A_15 = tpu.memref_slice %arg2[%dma_wait3A_13, %dma_wait3A_14] : memref<8192x384xi32, #tpu.memory_space<hbm>> -> memref<8192x384xi32, #tpu.memory_space<hbm>>
    tpu.wait_indirect_dma semaphore(%arg10 : memref<!tpu.dma_semaphore, #tpu.memory_space<semaphore_mem>>) src(%dma_wait3A_15 : memref<8192x384xi32, #tpu.memory_space<hbm>>) dst(%arg9 : memref<32x384xi32, #tpu.memory_space<vmem>>)
    "tpu.region"() ({
      %run_scoped3A_34 = tpu.sem_alloc : memref<!tpu.dma_semaphore, #tpu.memory_space<semaphore_mem>>
      %dma_start3A_35 = arith.constant 0 : i32
      %dma_start3A_36 = tpu.memref_slice %arg4[%add3A_4, %dma_start3A_35] : memref<2048x384xi32, #tpu.memory_space<hbm>> -> memref<32x384xi32, #tpu.memory_space<hbm>>
      %dma_start3A_37 = arith.constant 0 : i32
      %dma_start3A_38 = tpu.memref_slice %arg4[%add3A_4, %dma_start3A_37] : memref<2048x384xi32, #tpu.memory_space<hbm>> -> memref<32x384xi32, #tpu.memory_space<hbm>>
      tpu.enqueue_dma source(%arg8 : memref<32x384xi32, #tpu.memory_space<vmem>>) target(%dma_start3A_38 : memref<32x384xi32, #tpu.memory_space<hbm>>) target_semaphore(%run_scoped3A_34 : memref<!tpu.dma_semaphore, #tpu.memory_space<semaphore_mem>>)
      %dma_wait3A_39 = arith.constant 0 : i32
      %dma_wait3A_40 = tpu.memref_slice %arg4[%add3A_4, %dma_wait3A_39] : memref<2048x384xi32, #tpu.memory_space<hbm>> -> memref<32x384xi32, #tpu.memory_space<hbm>>
      %dma_wait3A_41 = arith.constant 0 : i32
      %dma_wait3A_42 = tpu.memref_slice %arg4[%add3A_4, %dma_wait3A_41] : memref<2048x384xi32, #tpu.memory_space<hbm>> -> memref<32x384xi32, #tpu.memory_space<hbm>>
      tpu.wait_dma2 semaphore(%run_scoped3A_34 : memref<!tpu.dma_semaphore, #tpu.memory_space<semaphore_mem>>) src(%arg8 : memref<32x384xi32, #tpu.memory_space<vmem>>) dst(%dma_wait3A_42 : memref<32x384xi32, #tpu.memory_space<hbm>>)
      tpu.yield
    }) : () -> ()
    "tpu.region"() ({
      %run_scoped3A_34 = tpu.sem_alloc : memref<!tpu.dma_semaphore, #tpu.memory_space<semaphore_mem>>
      %dma_start3A_35 = arith.constant 0 : i32
      %dma_start3A_36 = tpu.memref_slice %arg5[%add3A_4, %dma_start3A_35] : memref<2048x384xi32, #tpu.memory_space<hbm>> -> memref<32x384xi32, #tpu.memory_space<hbm>>
      %dma_start3A_37 = arith.constant 0 : i32
      %dma_start3A_38 = tpu.memref_slice %arg5[%add3A_4, %dma_start3A_37] : memref<2048x384xi32, #tpu.memory_space<hbm>> -> memref<32x384xi32, #tpu.memory_space<hbm>>
      tpu.enqueue_dma source(%arg9 : memref<32x384xi32, #tpu.memory_space<vmem>>) target(%dma_start3A_38 : memref<32x384xi32, #tpu.memory_space<hbm>>) target_semaphore(%run_scoped3A_34 : memref<!tpu.dma_semaphore, #tpu.memory_space<semaphore_mem>>)
      %dma_wait3A_39 = arith.constant 0 : i32
      %dma_wait3A_40 = tpu.memref_slice %arg5[%add3A_4, %dma_wait3A_39] : memref<2048x384xi32, #tpu.memory_space<hbm>> -> memref<32x384xi32, #tpu.memory_space<hbm>>
      %dma_wait3A_41 = arith.constant 0 : i32
      %dma_wait3A_42 = tpu.memref_slice %arg5[%add3A_4, %dma_wait3A_41] : memref<2048x384xi32, #tpu.memory_space<hbm>> -> memref<32x384xi32, #tpu.memory_space<hbm>>
      tpu.wait_dma2 semaphore(%run_scoped3A_34 : memref<!tpu.dma_semaphore, #tpu.memory_space<semaphore_mem>>) src(%arg9 : memref<32x384xi32, #tpu.memory_space<vmem>>) dst(%dma_wait3A_42 : memref<32x384xi32, #tpu.memory_space<hbm>>)
      tpu.yield
    }) : () -> ()
    %mul3A_16 = arith.constant 64 : i32
    %mul3A_17 = arith.muli %add3A, %mul3A_16 : i32
    %add3A_18 = arith.constant 32 : i32
    %add3A_19 = arith.addi %mul3A_17, %add3A_18 : i32
    %run_scoped3A_20 = arith.constant 0 : i32
    "tpu.region"() ({
      %run_scoped3A_34 = tpu.sem_alloc : memref<!tpu.dma_semaphore, #tpu.memory_space<semaphore_mem>>
      %dma_start3A_35 = tpu.memref_slice %arg3[%run_scoped3A_20, %add3A_19] : memref<8x2048xi32, #tpu.memory_space<hbm>> -> memref<1x32xi32, #tpu.memory_space<hbm>>
      %dma_start3A_36 = tpu.memref_squeeze %dma_start3A_35 : memref<1x32xi32, #tpu.memory_space<hbm>> -> memref<32xi32, #tpu.memory_space<hbm>>
      %dma_start3A_37 = tpu.memref_slice %arg3[%run_scoped3A_20, %add3A_19] : memref<8x2048xi32, #tpu.memory_space<hbm>> -> memref<1x32xi32, #tpu.memory_space<hbm>>
      %dma_start3A_38 = tpu.memref_squeeze %dma_start3A_37 : memref<1x32xi32, #tpu.memory_space<hbm>> -> memref<32xi32, #tpu.memory_space<hbm>>
      tpu.enqueue_dma source(%dma_start3A_38 : memref<32xi32, #tpu.memory_space<hbm>>) target(%arg6 : memref<32xi32, #tpu.memory_space<vmem>>) target_semaphore(%run_scoped3A_34 : memref<!tpu.dma_semaphore, #tpu.memory_space<semaphore_mem>>)
      %dma_wait3A_39 = tpu.memref_slice %arg3[%run_scoped3A_20, %add3A_19] : memref<8x2048xi32, #tpu.memory_space<hbm>> -> memref<1x32xi32, #tpu.memory_space<hbm>>
      %dma_wait3A_40 = tpu.memref_squeeze %dma_wait3A_39 : memref<1x32xi32, #tpu.memory_space<hbm>> -> memref<32xi32, #tpu.memory_space<hbm>>
      %dma_wait3A_41 = tpu.memref_slice %arg3[%run_scoped3A_20, %add3A_19] : memref<8x2048xi32, #tpu.memory_space<hbm>> -> memref<1x32xi32, #tpu.memory_space<hbm>>
      %dma_wait3A_42 = tpu.memref_squeeze %dma_wait3A_41 : memref<1x32xi32, #tpu.memory_space<hbm>> -> memref<32xi32, #tpu.memory_space<hbm>>
      tpu.wait_dma2 semaphore(%run_scoped3A_34 : memref<!tpu.dma_semaphore, #tpu.memory_space<semaphore_mem>>) src(%dma_wait3A_42 : memref<32xi32, #tpu.memory_space<hbm>>) dst(%arg6 : memref<32xi32, #tpu.memory_space<vmem>>)
      tpu.yield
    }) : () -> ()
    %run_scoped3A_21 = arith.constant 1 : i32
    "tpu.region"() ({
      %run_scoped3A_34 = tpu.sem_alloc : memref<!tpu.dma_semaphore, #tpu.memory_space<semaphore_mem>>
      %dma_start3A_35 = tpu.memref_slice %arg3[%run_scoped3A_21, %add3A_19] : memref<8x2048xi32, #tpu.memory_space<hbm>> -> memref<1x32xi32, #tpu.memory_space<hbm>>
      %dma_start3A_36 = tpu.memref_squeeze %dma_start3A_35 : memref<1x32xi32, #tpu.memory_space<hbm>> -> memref<32xi32, #tpu.memory_space<hbm>>
      %dma_start3A_37 = tpu.memref_slice %arg3[%run_scoped3A_21, %add3A_19] : memref<8x2048xi32, #tpu.memory_space<hbm>> -> memref<1x32xi32, #tpu.memory_space<hbm>>
      %dma_start3A_38 = tpu.memref_squeeze %dma_start3A_37 : memref<1x32xi32, #tpu.memory_space<hbm>> -> memref<32xi32, #tpu.memory_space<hbm>>
      tpu.enqueue_dma source(%dma_start3A_38 : memref<32xi32, #tpu.memory_space<hbm>>) target(%arg7 : memref<32xi32, #tpu.memory_space<vmem>>) target_semaphore(%run_scoped3A_34 : memref<!tpu.dma_semaphore, #tpu.memory_space<semaphore_mem>>)
      %dma_wait3A_39 = tpu.memref_slice %arg3[%run_scoped3A_21, %add3A_19] : memref<8x2048xi32, #tpu.memory_space<hbm>> -> memref<1x32xi32, #tpu.memory_space<hbm>>
      %dma_wait3A_40 = tpu.memref_squeeze %dma_wait3A_39 : memref<1x32xi32, #tpu.memory_space<hbm>> -> memref<32xi32, #tpu.memory_space<hbm>>
      %dma_wait3A_41 = tpu.memref_slice %arg3[%run_scoped3A_21, %add3A_19] : memref<8x2048xi32, #tpu.memory_space<hbm>> -> memref<1x32xi32, #tpu.memory_space<hbm>>
      %dma_wait3A_42 = tpu.memref_squeeze %dma_wait3A_41 : memref<1x32xi32, #tpu.memory_space<hbm>> -> memref<32xi32, #tpu.memory_space<hbm>>
      tpu.wait_dma2 semaphore(%run_scoped3A_34 : memref<!tpu.dma_semaphore, #tpu.memory_space<semaphore_mem>>) src(%dma_wait3A_42 : memref<32xi32, #tpu.memory_space<hbm>>) dst(%arg7 : memref<32xi32, #tpu.memory_space<vmem>>)
      tpu.yield
    }) : () -> ()
    %dma_start3A_22 = arith.constant 0 : i32
    %dma_start3A_23 = arith.constant 0 : i32
    %dma_start3A_24 = tpu.memref_slice %arg2[%dma_start3A_22, %dma_start3A_23] : memref<8192x384xi32, #tpu.memory_space<hbm>> -> memref<8192x384xi32, #tpu.memory_space<hbm>>
    tpu.enqueue_indirect_dma source(%dma_start3A_24 : memref<8192x384xi32, #tpu.memory_space<hbm>>) target(%arg8 : memref<32x384xi32, #tpu.memory_space<vmem>>) offsets(%arg6 : memref<32xi32, #tpu.memory_space<vmem>>) semaphore(%arg10 : memref<!tpu.dma_semaphore, #tpu.memory_space<semaphore_mem>>)
    %dma_start3A_25 = arith.constant 0 : i32
    %dma_start3A_26 = arith.constant 0 : i32
    %dma_start3A_27 = tpu.memref_slice %arg2[%dma_start3A_25, %dma_start3A_26] : memref<8192x384xi32, #tpu.memory_space<hbm>> -> memref<8192x384xi32, #tpu.memory_space<hbm>>
    tpu.enqueue_indirect_dma source(%dma_start3A_27 : memref<8192x384xi32, #tpu.memory_space<hbm>>) target(%arg9 : memref<32x384xi32, #tpu.memory_space<vmem>>) offsets(%arg7 : memref<32xi32, #tpu.memory_space<vmem>>) semaphore(%arg10 : memref<!tpu.dma_semaphore, #tpu.memory_space<semaphore_mem>>)
    %dma_wait3A_28 = arith.constant 0 : i32
    %dma_wait3A_29 = arith.constant 0 : i32
    %dma_wait3A_30 = tpu.memref_slice %arg2[%dma_wait3A_28, %dma_wait3A_29] : memref<8192x384xi32, #tpu.memory_space<hbm>> -> memref<8192x384xi32, #tpu.memory_space<hbm>>
    tpu.wait_indirect_dma semaphore(%arg10 : memref<!tpu.dma_semaphore, #tpu.memory_space<semaphore_mem>>) src(%dma_wait3A_30 : memref<8192x384xi32, #tpu.memory_space<hbm>>) dst(%arg8 : memref<32x384xi32, #tpu.memory_space<vmem>>)
    %dma_wait3A_31 = arith.constant 0 : i32
    %dma_wait3A_32 = arith.constant 0 : i32
    %dma_wait3A_33 = tpu.memref_slice %arg2[%dma_wait3A_31, %dma_wait3A_32] : memref<8192x384xi32, #tpu.memory_space<hbm>> -> memref<8192x384xi32, #tpu.memory_space<hbm>>
    tpu.wait_indirect_dma semaphore(%arg10 : memref<!tpu.dma_semaphore, #tpu.memory_space<semaphore_mem>>) src(%dma_wait3A_33 : memref<8192x384xi32, #tpu.memory_space<hbm>>) dst(%arg9 : memref<32x384xi32, #tpu.memory_space<vmem>>)
    "tpu.region"() ({
      %run_scoped3A_34 = tpu.sem_alloc : memref<!tpu.dma_semaphore, #tpu.memory_space<semaphore_mem>>
      %dma_start3A_35 = arith.constant 0 : i32
      %dma_start3A_36 = tpu.memref_slice %arg4[%add3A_19, %dma_start3A_35] : memref<2048x384xi32, #tpu.memory_space<hbm>> -> memref<32x384xi32, #tpu.memory_space<hbm>>
      %dma_start3A_37 = arith.constant 0 : i32
      %dma_start3A_38 = tpu.memref_slice %arg4[%add3A_19, %dma_start3A_37] : memref<2048x384xi32, #tpu.memory_space<hbm>> -> memref<32x384xi32, #tpu.memory_space<hbm>>
      tpu.enqueue_dma source(%arg8 : memref<32x384xi32, #tpu.memory_space<vmem>>) target(%dma_start3A_38 : memref<32x384xi32, #tpu.memory_space<hbm>>) target_semaphore(%run_scoped3A_34 : memref<!tpu.dma_semaphore, #tpu.memory_space<semaphore_mem>>)
      %dma_wait3A_39 = arith.constant 0 : i32
      %dma_wait3A_40 = tpu.memref_slice %arg4[%add3A_19, %dma_wait3A_39] : memref<2048x384xi32, #tpu.memory_space<hbm>> -> memref<32x384xi32, #tpu.memory_space<hbm>>
      %dma_wait3A_41 = arith.constant 0 : i32
      %dma_wait3A_42 = tpu.memref_slice %arg4[%add3A_19, %dma_wait3A_41] : memref<2048x384xi32, #tpu.memory_space<hbm>> -> memref<32x384xi32, #tpu.memory_space<hbm>>
      tpu.wait_dma2 semaphore(%run_scoped3A_34 : memref<!tpu.dma_semaphore, #tpu.memory_space<semaphore_mem>>) src(%arg8 : memref<32x384xi32, #tpu.memory_space<vmem>>) dst(%dma_wait3A_42 : memref<32x384xi32, #tpu.memory_space<hbm>>)
      tpu.yield
    }) : () -> ()
    "tpu.region"() ({
      %run_scoped3A_34 = tpu.sem_alloc : memref<!tpu.dma_semaphore, #tpu.memory_space<semaphore_mem>>
      %dma_start3A_35 = arith.constant 0 : i32
      %dma_start3A_36 = tpu.memref_slice %arg5[%add3A_19, %dma_start3A_35] : memref<2048x384xi32, #tpu.memory_space<hbm>> -> memref<32x384xi32, #tpu.memory_space<hbm>>
      %dma_start3A_37 = arith.constant 0 : i32
      %dma_start3A_38 = tpu.memref_slice %arg5[%add3A_19, %dma_start3A_37] : memref<2048x384xi32, #tpu.memory_space<hbm>> -> memref<32x384xi32, #tpu.memory_space<hbm>>
      tpu.enqueue_dma source(%arg9 : memref<32x384xi32, #tpu.memory_space<vmem>>) target(%dma_start3A_38 : memref<32x384xi32, #tpu.memory_space<hbm>>) target_semaphore(%run_scoped3A_34 : memref<!tpu.dma_semaphore, #tpu.memory_space<semaphore_mem>>)
      %dma_wait3A_39 = arith.constant 0 : i32
      %dma_wait3A_40 = tpu.memref_slice %arg5[%add3A_19, %dma_wait3A_39] : memref<2048x384xi32, #tpu.memory_space<hbm>> -> memref<32x384xi32, #tpu.memory_space<hbm>>
      %dma_wait3A_41 = arith.constant 0 : i32
      %dma_wait3A_42 = tpu.memref_slice %arg5[%add3A_19, %dma_wait3A_41] : memref<2048x384xi32, #tpu.memory_space<hbm>> -> memref<32x384xi32, #tpu.memory_space<hbm>>
      tpu.wait_dma2 semaphore(%run_scoped3A_34 : memref<!tpu.dma_semaphore, #tpu.memory_space<semaphore_mem>>) src(%arg9 : memref<32x384xi32, #tpu.memory_space<vmem>>) dst(%dma_wait3A_42 : memref<32x384xi32, #tpu.memory_space<hbm>>)
      tpu.yield
    }) : () -> ()
    return
  }
}

#map = affine_map<(d0, d1) -> (0, 0)>
module attributes {stable_mosaic.version = 14 : i64} {
  func.func @_dispatch_body(%arg0: i32, %arg1: i32, %arg2: memref<2048x384xi32, #tpu.memory_space<hbm>>, %arg3: memref<8x2048xi32, #tpu.memory_space<hbm>>, %arg4: memref<8192x384xi32, #tpu.memory_space<hbm>>, %arg5: memref<64xi32, #tpu.memory_space<vmem>>, %arg6: memref<64xi32, #tpu.memory_space<vmem>>, %arg7: memref<64x384xi32, #tpu.memory_space<vmem>>, %arg8: memref<!tpu.dma_semaphore, #tpu.memory_space<semaphore_mem>>) attributes {dimension_semantics = [#tpu.dimension_semantics<core_parallel>, #tpu.dimension_semantics<subcore_parallel>], iteration_bounds = array<i64: 2, 16>, scalar_prefetch = 0 : i64, scratch_operands = 4 : i64, tpu.core_type = #tpu.core_type<sc_vector_subcore>, window_params = [{transform_indices = #map}, {transform_indices = #map}, {transform_indices = #map}]} {
    %mul3A = arith.constant 2 : i32
    %mul3A_0 = arith.muli %arg1, %mul3A : i32
    %add3A = arith.addi %mul3A_0, %arg0 : i32
    %mul3A_1 = arith.constant 64 : i32
    %mul3A_2 = arith.muli %add3A, %mul3A_1 : i32
    %run_scoped3A = arith.constant 0 : i32
    "tpu.region"() ({
      %run_scoped3A_14 = tpu.sem_alloc : memref<!tpu.dma_semaphore, #tpu.memory_space<semaphore_mem>>
      %dma_start3A_15 = tpu.memref_slice %arg3[%run_scoped3A, %mul3A_2] : memref<8x2048xi32, #tpu.memory_space<hbm>> -> memref<1x64xi32, #tpu.memory_space<hbm>>
      %dma_start3A_16 = tpu.memref_squeeze %dma_start3A_15 : memref<1x64xi32, #tpu.memory_space<hbm>> -> memref<64xi32, #tpu.memory_space<hbm>>
      %dma_start3A_17 = tpu.memref_slice %arg3[%run_scoped3A, %mul3A_2] : memref<8x2048xi32, #tpu.memory_space<hbm>> -> memref<1x64xi32, #tpu.memory_space<hbm>>
      %dma_start3A_18 = tpu.memref_squeeze %dma_start3A_17 : memref<1x64xi32, #tpu.memory_space<hbm>> -> memref<64xi32, #tpu.memory_space<hbm>>
      tpu.enqueue_dma source(%dma_start3A_18 : memref<64xi32, #tpu.memory_space<hbm>>) target(%arg5 : memref<64xi32, #tpu.memory_space<vmem>>) target_semaphore(%run_scoped3A_14 : memref<!tpu.dma_semaphore, #tpu.memory_space<semaphore_mem>>)
      %dma_wait3A_19 = tpu.memref_slice %arg3[%run_scoped3A, %mul3A_2] : memref<8x2048xi32, #tpu.memory_space<hbm>> -> memref<1x64xi32, #tpu.memory_space<hbm>>
      %dma_wait3A_20 = tpu.memref_squeeze %dma_wait3A_19 : memref<1x64xi32, #tpu.memory_space<hbm>> -> memref<64xi32, #tpu.memory_space<hbm>>
      %dma_wait3A_21 = tpu.memref_slice %arg3[%run_scoped3A, %mul3A_2] : memref<8x2048xi32, #tpu.memory_space<hbm>> -> memref<1x64xi32, #tpu.memory_space<hbm>>
      %dma_wait3A_22 = tpu.memref_squeeze %dma_wait3A_21 : memref<1x64xi32, #tpu.memory_space<hbm>> -> memref<64xi32, #tpu.memory_space<hbm>>
      tpu.wait_dma2 semaphore(%run_scoped3A_14 : memref<!tpu.dma_semaphore, #tpu.memory_space<semaphore_mem>>) src(%dma_wait3A_22 : memref<64xi32, #tpu.memory_space<hbm>>) dst(%arg5 : memref<64xi32, #tpu.memory_space<vmem>>)
      tpu.yield
    }) : () -> ()
    %run_scoped3A_3 = arith.constant 1 : i32
    "tpu.region"() ({
      %run_scoped3A_14 = tpu.sem_alloc : memref<!tpu.dma_semaphore, #tpu.memory_space<semaphore_mem>>
      %dma_start3A_15 = tpu.memref_slice %arg3[%run_scoped3A_3, %mul3A_2] : memref<8x2048xi32, #tpu.memory_space<hbm>> -> memref<1x64xi32, #tpu.memory_space<hbm>>
      %dma_start3A_16 = tpu.memref_squeeze %dma_start3A_15 : memref<1x64xi32, #tpu.memory_space<hbm>> -> memref<64xi32, #tpu.memory_space<hbm>>
      %dma_start3A_17 = tpu.memref_slice %arg3[%run_scoped3A_3, %mul3A_2] : memref<8x2048xi32, #tpu.memory_space<hbm>> -> memref<1x64xi32, #tpu.memory_space<hbm>>
      %dma_start3A_18 = tpu.memref_squeeze %dma_start3A_17 : memref<1x64xi32, #tpu.memory_space<hbm>> -> memref<64xi32, #tpu.memory_space<hbm>>
      tpu.enqueue_dma source(%dma_start3A_18 : memref<64xi32, #tpu.memory_space<hbm>>) target(%arg6 : memref<64xi32, #tpu.memory_space<vmem>>) target_semaphore(%run_scoped3A_14 : memref<!tpu.dma_semaphore, #tpu.memory_space<semaphore_mem>>)
      %dma_wait3A_19 = tpu.memref_slice %arg3[%run_scoped3A_3, %mul3A_2] : memref<8x2048xi32, #tpu.memory_space<hbm>> -> memref<1x64xi32, #tpu.memory_space<hbm>>
      %dma_wait3A_20 = tpu.memref_squeeze %dma_wait3A_19 : memref<1x64xi32, #tpu.memory_space<hbm>> -> memref<64xi32, #tpu.memory_space<hbm>>
      %dma_wait3A_21 = tpu.memref_slice %arg3[%run_scoped3A_3, %mul3A_2] : memref<8x2048xi32, #tpu.memory_space<hbm>> -> memref<1x64xi32, #tpu.memory_space<hbm>>
      %dma_wait3A_22 = tpu.memref_squeeze %dma_wait3A_21 : memref<1x64xi32, #tpu.memory_space<hbm>> -> memref<64xi32, #tpu.memory_space<hbm>>
      tpu.wait_dma2 semaphore(%run_scoped3A_14 : memref<!tpu.dma_semaphore, #tpu.memory_space<semaphore_mem>>) src(%dma_wait3A_22 : memref<64xi32, #tpu.memory_space<hbm>>) dst(%arg6 : memref<64xi32, #tpu.memory_space<vmem>>)
      tpu.yield
    }) : () -> ()
    "tpu.region"() ({
      %run_scoped3A_14 = tpu.sem_alloc : memref<!tpu.dma_semaphore, #tpu.memory_space<semaphore_mem>>
      %dma_start3A_15 = arith.constant 0 : i32
      %dma_start3A_16 = tpu.memref_slice %arg2[%mul3A_2, %dma_start3A_15] : memref<2048x384xi32, #tpu.memory_space<hbm>> -> memref<64x384xi32, #tpu.memory_space<hbm>>
      %dma_start3A_17 = arith.constant 0 : i32
      %dma_start3A_18 = tpu.memref_slice %arg2[%mul3A_2, %dma_start3A_17] : memref<2048x384xi32, #tpu.memory_space<hbm>> -> memref<64x384xi32, #tpu.memory_space<hbm>>
      tpu.enqueue_dma source(%dma_start3A_18 : memref<64x384xi32, #tpu.memory_space<hbm>>) target(%arg7 : memref<64x384xi32, #tpu.memory_space<vmem>>) target_semaphore(%run_scoped3A_14 : memref<!tpu.dma_semaphore, #tpu.memory_space<semaphore_mem>>)
      %dma_wait3A_19 = arith.constant 0 : i32
      %dma_wait3A_20 = tpu.memref_slice %arg2[%mul3A_2, %dma_wait3A_19] : memref<2048x384xi32, #tpu.memory_space<hbm>> -> memref<64x384xi32, #tpu.memory_space<hbm>>
      %dma_wait3A_21 = arith.constant 0 : i32
      %dma_wait3A_22 = tpu.memref_slice %arg2[%mul3A_2, %dma_wait3A_21] : memref<2048x384xi32, #tpu.memory_space<hbm>> -> memref<64x384xi32, #tpu.memory_space<hbm>>
      tpu.wait_dma2 semaphore(%run_scoped3A_14 : memref<!tpu.dma_semaphore, #tpu.memory_space<semaphore_mem>>) src(%dma_wait3A_22 : memref<64x384xi32, #tpu.memory_space<hbm>>) dst(%arg7 : memref<64x384xi32, #tpu.memory_space<vmem>>)
      tpu.yield
    }) : () -> ()
    %dma_start3A = arith.constant 0 : i32
    %dma_start3A_4 = arith.constant 0 : i32
    %dma_start3A_5 = tpu.memref_slice %arg4[%dma_start3A, %dma_start3A_4] : memref<8192x384xi32, #tpu.memory_space<hbm>> -> memref<8192x384xi32, #tpu.memory_space<hbm>>
    tpu.enqueue_indirect_dma source(%arg7 : memref<64x384xi32, #tpu.memory_space<vmem>>) target(%dma_start3A_5 : memref<8192x384xi32, #tpu.memory_space<hbm>>) offsets(%arg5 : memref<64xi32, #tpu.memory_space<vmem>>) semaphore(%arg8 : memref<!tpu.dma_semaphore, #tpu.memory_space<semaphore_mem>>)
    %dma_start3A_6 = arith.constant 0 : i32
    %dma_start3A_7 = arith.constant 0 : i32
    %dma_start3A_8 = tpu.memref_slice %arg4[%dma_start3A_6, %dma_start3A_7] : memref<8192x384xi32, #tpu.memory_space<hbm>> -> memref<8192x384xi32, #tpu.memory_space<hbm>>
    tpu.enqueue_indirect_dma source(%arg7 : memref<64x384xi32, #tpu.memory_space<vmem>>) target(%dma_start3A_8 : memref<8192x384xi32, #tpu.memory_space<hbm>>) offsets(%arg6 : memref<64xi32, #tpu.memory_space<vmem>>) semaphore(%arg8 : memref<!tpu.dma_semaphore, #tpu.memory_space<semaphore_mem>>)
    %dma_wait3A = arith.constant 0 : i32
    %dma_wait3A_9 = arith.constant 0 : i32
    %dma_wait3A_10 = tpu.memref_slice %arg4[%dma_wait3A, %dma_wait3A_9] : memref<8192x384xi32, #tpu.memory_space<hbm>> -> memref<8192x384xi32, #tpu.memory_space<hbm>>
    tpu.wait_indirect_dma semaphore(%arg8 : memref<!tpu.dma_semaphore, #tpu.memory_space<semaphore_mem>>) src(%arg7 : memref<64x384xi32, #tpu.memory_space<vmem>>) dst(%dma_wait3A_10 : memref<8192x384xi32, #tpu.memory_space<hbm>>)
    %dma_wait3A_11 = arith.constant 0 : i32
    %dma_wait3A_12 = arith.constant 0 : i32
    %dma_wait3A_13 = tpu.memref_slice %arg4[%dma_wait3A_11, %dma_wait3A_12] : memref<8192x384xi32, #tpu.memory_space<hbm>> -> memref<8192x384xi32, #tpu.memory_space<hbm>>
    tpu.wait_indirect_dma semaphore(%arg8 : memref<!tpu.dma_semaphore, #tpu.memory_space<semaphore_mem>>) src(%arg7 : memref<64x384xi32, #tpu.memory_space<vmem>>) dst(%dma_wait3A_13 : memref<8192x384xi32, #tpu.memory_space<hbm>>)
    return
  }
}

module attributes {stable_mosaic.version = 14 : i64} {
  func.func @_experts_body(%arg0: i32, %arg1: memref<128xi32, #tpu.memory_space<smem>>, %arg2: memref<512x384xi32, #tpu.memory_space<vmem>>, %arg3: memref<1x768x1024xf32, #tpu.memory_space<vmem>>, %arg4: memref<1x1024x768xf32, #tpu.memory_space<vmem>>, %arg5: memref<1x768x1024xf32, #tpu.memory_space<vmem>>, %arg6: memref<512x384xi32, #tpu.memory_space<vmem>>) attributes {dimension_semantics = [#tpu.dimension_semantics<arbitrary>], iteration_bounds = array<i64: 16>, scalar_prefetch = 1 : i64, scratch_operands = 0 : i64, tpu.core_type = #tpu.core_type<tc>, window_params = [{transform_indices = @transform_0, window_bounds = array<i64: 512, 384>}, {transform_indices = @transform_1, window_bounds = array<i64: 1, 768, 1024>}, {transform_indices = @transform_2, window_bounds = array<i64: 1, 1024, 768>}, {transform_indices = @transform_3, window_bounds = array<i64: 1, 768, 1024>}, {transform_indices = @transform_4, window_bounds = array<i64: 512, 384>}]} {
    %get3A = arith.constant 120 : index
    %get3A_0 = memref.load %arg1[%get3A] : memref<128xi32, #tpu.memory_space<smem>>
    %lt3A = arith.cmpi slt, %arg0, %get3A_0 : i32
    %convert_element_type3A = arith.extui %lt3A : i1 to i32
    %cond3A = arith.constant 0 : i32
    %cond3A_1 = arith.cmpi ne, %convert_element_type3A, %cond3A : i32
    scf.if %cond3A_1 {
      %get3A_2 = arith.constant 0 : index
      %get3A_3 = arith.constant 0 : index
      %get3A_4 = vector.load %arg2[%get3A_2, %get3A_3] : memref<512x384xi32, #tpu.memory_space<vmem>>, vector<512x384xi32>
      %bitcast_convert_type3A = tpu.bitcast %get3A_4 : vector<512x384xi32> -> vector<512x384xi32>
      %shift_left3A = arith.constant 16 : i32
      %shift_left3A_5 = vector.broadcast %shift_left3A : i32 to vector<512x384xi32>
      %shift_left3A_6 = arith.shli %bitcast_convert_type3A, %shift_left3A_5 : vector<512x384xi32>
      %bitcast_convert_type3A_7 = tpu.bitcast %shift_left3A_6 : vector<512x384xi32> -> vector<512x384xf32>
      %and3A = arith.constant -65536 : i32
      %and3A_8 = vector.broadcast %and3A : i32 to vector<512x384xi32>
      %and3A_9 = arith.andi %bitcast_convert_type3A, %and3A_8 : vector<512x384xi32>
      %bitcast_convert_type3A_10 = tpu.bitcast %and3A_9 : vector<512x384xi32> -> vector<512x384xf32>
      %concatenate3A = tpu.concatenate %bitcast_convert_type3A_7, %bitcast_convert_type3A_10 in 1 : vector<512x384xf32>, vector<512x384xf32> -> vector<512x768xf32>
      %get3A_11 = arith.constant 0 : index
      %get3A_12 = arith.constant 0 : index
      %get3A_13 = arith.constant 0 : index
      %get3A_14 = vector.load %arg3[%get3A_11, %get3A_12, %get3A_13] : memref<1x768x1024xf32, #tpu.memory_space<vmem>>, vector<1x768x1024xf32>
      %get3A_15 = vector.shape_cast %get3A_14 : vector<1x768x1024xf32> to vector<768x1024xf32>
      %dot_general3A = arith.constant dense<0.000000e+00> : vector<512x1024xf32>
      %dot_general3A_16 = tpu.matmul %concatenate3A, %get3A_15, %dot_general3A {dimension_numbers = #tpu.dot_dimension_numbers<[1], [0], [0], [1], [0, 0, 1, 1], [], []>, transpose_lhs_hint = false} : vector<512x768xf32>, vector<768x1024xf32>, vector<512x1024xf32> -> vector<512x1024xf32>
      %logistic3A = arith.negf %dot_general3A_16 : vector<512x1024xf32>
      %logistic3A_17 = math.exp %logistic3A : vector<512x1024xf32>
      %logistic3A_18 = arith.constant 1.000000e+00 : f32
      %logistic3A_19 = vector.broadcast %logistic3A_18 : f32 to vector<512x1024xf32>
      %logistic3A_20 = arith.addf %logistic3A_19, %logistic3A_17 : vector<512x1024xf32>
      %logistic3A_21 = arith.divf %logistic3A_19, %logistic3A_20 : vector<512x1024xf32>
      %mul3A = arith.mulf %dot_general3A_16, %logistic3A_21 : vector<512x1024xf32>
      %get3A_22 = arith.constant 0 : index
      %get3A_23 = arith.constant 0 : index
      %get3A_24 = arith.constant 0 : index
      %get3A_25 = vector.load %arg5[%get3A_22, %get3A_23, %get3A_24] : memref<1x768x1024xf32, #tpu.memory_space<vmem>>, vector<1x768x1024xf32>
      %get3A_26 = vector.shape_cast %get3A_25 : vector<1x768x1024xf32> to vector<768x1024xf32>
      %dot_general3A_27 = arith.constant dense<0.000000e+00> : vector<512x1024xf32>
      %dot_general3A_28 = tpu.matmul %concatenate3A, %get3A_26, %dot_general3A_27 {dimension_numbers = #tpu.dot_dimension_numbers<[1], [0], [0], [1], [0, 0, 1, 1], [], []>, transpose_lhs_hint = false} : vector<512x768xf32>, vector<768x1024xf32>, vector<512x1024xf32> -> vector<512x1024xf32>
      %mul3A_29 = arith.mulf %mul3A, %dot_general3A_28 : vector<512x1024xf32>
      %get3A_30 = arith.constant 0 : index
      %get3A_31 = arith.constant 0 : index
      %get3A_32 = arith.constant 0 : index
      %get3A_33 = vector.load %arg4[%get3A_30, %get3A_31, %get3A_32] : memref<1x1024x768xf32, #tpu.memory_space<vmem>>, vector<1x1024x768xf32>
      %get3A_34 = vector.shape_cast %get3A_33 : vector<1x1024x768xf32> to vector<1024x768xf32>
      %dot_general3A_35 = arith.constant dense<0.000000e+00> : vector<512x768xf32>
      %dot_general3A_36 = tpu.matmul %mul3A_29, %get3A_34, %dot_general3A_35 {dimension_numbers = #tpu.dot_dimension_numbers<[1], [0], [0], [1], [0, 0, 1, 1], [], []>, transpose_lhs_hint = false} : vector<512x1024xf32>, vector<1024x768xf32>, vector<512x768xf32> -> vector<512x768xf32>
      %bitcast_convert_type3A_37 = tpu.bitcast %dot_general3A_36 : vector<512x768xf32> -> vector<512x768xi32>
      %slice3A = vector.extract_strided_slice %bitcast_convert_type3A_37 {offsets = [0, 384], sizes = [512, 384], strides = [1, 1]} : vector<512x768xi32> to vector<512x384xi32>
      %add3A = arith.constant 32767 : i32
      %add3A_38 = vector.broadcast %add3A : i32 to vector<512x384xi32>
      %add3A_39 = arith.addi %slice3A, %add3A_38 : vector<512x384xi32>
      %shift_right_logical3A = arith.constant 16 : i32
      %shift_right_logical3A_40 = vector.broadcast %shift_right_logical3A : i32 to vector<512x384xi32>
      %shift_right_logical3A_41 = arith.shrui %slice3A, %shift_right_logical3A_40 : vector<512x384xi32>
      %and3A_42 = arith.constant 1 : i32
      %and3A_43 = vector.broadcast %and3A_42 : i32 to vector<512x384xi32>
      %and3A_44 = arith.andi %shift_right_logical3A_41, %and3A_43 : vector<512x384xi32>
      %add3A_45 = arith.addi %add3A_39, %and3A_44 : vector<512x384xi32>
      %and3A_46 = arith.constant -65536 : i32
      %and3A_47 = vector.broadcast %and3A_46 : i32 to vector<512x384xi32>
      %and3A_48 = arith.andi %add3A_45, %and3A_47 : vector<512x384xi32>
      %slice3A_49 = vector.extract_strided_slice %bitcast_convert_type3A_37 {offsets = [0, 0], sizes = [512, 384], strides = [1, 1]} : vector<512x768xi32> to vector<512x384xi32>
      %add3A_50 = arith.constant 32767 : i32
      %add3A_51 = vector.broadcast %add3A_50 : i32 to vector<512x384xi32>
      %add3A_52 = arith.addi %slice3A_49, %add3A_51 : vector<512x384xi32>
      %shift_right_logical3A_53 = arith.constant 16 : i32
      %shift_right_logical3A_54 = vector.broadcast %shift_right_logical3A_53 : i32 to vector<512x384xi32>
      %shift_right_logical3A_55 = arith.shrui %slice3A_49, %shift_right_logical3A_54 : vector<512x384xi32>
      %and3A_56 = arith.constant 1 : i32
      %and3A_57 = vector.broadcast %and3A_56 : i32 to vector<512x384xi32>
      %and3A_58 = arith.andi %shift_right_logical3A_55, %and3A_57 : vector<512x384xi32>
      %add3A_59 = arith.addi %add3A_52, %and3A_58 : vector<512x384xi32>
      %and3A_60 = arith.constant -65536 : i32
      %and3A_61 = vector.broadcast %and3A_60 : i32 to vector<512x384xi32>
      %and3A_62 = arith.andi %add3A_59, %and3A_61 : vector<512x384xi32>
      %shift_right_logical3A_63 = arith.constant 16 : i32
      %shift_right_logical3A_64 = vector.broadcast %shift_right_logical3A_63 : i32 to vector<512x384xi32>
      %shift_right_logical3A_65 = arith.shrui %and3A_62, %shift_right_logical3A_64 : vector<512x384xi32>
      %or3A = arith.ori %and3A_48, %shift_right_logical3A_65 : vector<512x384xi32>
      %bitcast_convert_type3A_66 = tpu.bitcast %or3A : vector<512x384xi32> -> vector<512x384xi32>
      %swap3A = arith.constant 0 : index
      %swap3A_67 = arith.constant 0 : index
      %swap3A_68 = vector.load %arg6[%swap3A, %swap3A_67] : memref<512x384xi32, #tpu.memory_space<vmem>>, vector<512x384xi32>
      tpu.vector_store %arg6[%swap3A, %swap3A_67], %bitcast_convert_type3A_66 {strides = array<i32>} : memref<512x384xi32, #tpu.memory_space<vmem>>, vector<512x384xi32>,
    } else {
    }
    return
  }
  func.func @transform_0(%arg0: i32, %arg1: memref<128xi32, #tpu.memory_space<smem>>) -> (i32, i32) {
    %c0_i32 = arith.constant 0 : i32
    %c0_i32_0 = arith.constant 0 : i32
    return %arg0, %c0_i32 : i32, i32
  }
  func.func @transform_1(%arg0: i32, %arg1: memref<128xi32, #tpu.memory_space<smem>>) -> (i32, i32, i32) {
    %get3A = arith.index_cast %arg0 : i32 to index
    %get3A_0 = memref.load %arg1[%get3A] : memref<128xi32, #tpu.memory_space<smem>>
    %c0_i32 = arith.constant 0 : i32
    %c0_i32_1 = arith.constant 0 : i32
    %c0_i32_2 = arith.constant 0 : i32
    return %get3A_0, %c0_i32, %c0_i32_1 : i32, i32, i32
  }
  func.func @transform_2(%arg0: i32, %arg1: memref<128xi32, #tpu.memory_space<smem>>) -> (i32, i32, i32) {
    %get3A = arith.index_cast %arg0 : i32 to index
    %get3A_0 = memref.load %arg1[%get3A] : memref<128xi32, #tpu.memory_space<smem>>
    %c0_i32 = arith.constant 0 : i32
    %c0_i32_1 = arith.constant 0 : i32
    %c0_i32_2 = arith.constant 0 : i32
    return %get3A_0, %c0_i32, %c0_i32_1 : i32, i32, i32
  }
  func.func @transform_3(%arg0: i32, %arg1: memref<128xi32, #tpu.memory_space<smem>>) -> (i32, i32, i32) {
    %get3A = arith.index_cast %arg0 : i32 to index
    %get3A_0 = memref.load %arg1[%get3A] : memref<128xi32, #tpu.memory_space<smem>>
    %c0_i32 = arith.constant 0 : i32
    %c0_i32_1 = arith.constant 0 : i32
    %c0_i32_2 = arith.constant 0 : i32
    return %get3A_0, %c0_i32, %c0_i32_1 : i32, i32, i32
  }
  func.func @transform_4(%arg0: i32, %arg1: memref<128xi32, #tpu.memory_space<smem>>) -> (i32, i32) {
    %c0_i32 = arith.constant 0 : i32
    %c0_i32_0 = arith.constant 0 : i32
    return %arg0, %c0_i32 : i32, i32
  }
}

module attributes {stable_mosaic.version = 14 : i64} {
  func.func @_rm_body(%arg0: i32, %arg1: i32, %arg2: memref<1024x768xf32, #tpu.memory_space<vmem>>, %arg3: memref<768x128xf32, #tpu.memory_space<vmem>>, %arg4: memref<2x1024x16xf32, #tpu.memory_space<vmem>>, %arg5: memref<8x1024xi32, #tpu.memory_space<vmem>>, %arg6: memref<1x1x128xi32, #tpu.memory_space<vmem>>, %arg7: memref<1024x384xi32, #tpu.memory_space<vmem>>, %arg8: memref<8x2048xi32, #tpu.memory_space<vmem>>, %arg9: memref<1x128xi32, #tpu.memory_space<vmem>>, %arg10: memref<1x128xi32, #tpu.memory_space<vmem>>) attributes {dimension_semantics = [#tpu.dimension_semantics<arbitrary>, #tpu.dimension_semantics<arbitrary>], iteration_bounds = array<i64: 2, 2>, scalar_prefetch = 0 : i64, scratch_operands = 3 : i64, tpu.core_type = #tpu.core_type<tc>, window_params = [{transform_indices = @transform_0, window_bounds = array<i64: 1024, 768>}, {pipeline_mode = #tpu.pipeline_mode<synchronous>, transform_indices = @transform_1, window_bounds = array<i64: 768, 128>}, {transform_indices = @transform_2, window_bounds = array<i64: 2, 1024, 16>}, {transform_indices = @transform_3, window_bounds = array<i64: 8, 1024>}, {pipeline_mode = #tpu.pipeline_mode<synchronous>, transform_indices = @transform_4, window_bounds = array<i64: 1, 1, 128>}, {transform_indices = @transform_5, window_bounds = array<i64: 1024, 384>}]} {
    %iota3A = tpu.iota {dimensions = array<i32: 1>} : vector<1024x128xi32>
    %iota3A_0 = tpu.iota {dimensions = array<i32: 1>} : vector<1x128xi32>
    %iota3A_1 = tpu.iota {dimensions = array<i32: 0>} : vector<8x1024xi32>
    %eq3A = arith.constant 0 : i32
    %eq3A_2 = arith.cmpi eq, %arg0, %eq3A : i32
    %convert_element_type3A = arith.extui %eq3A_2 : i1 to i32
    %cond3A = arith.constant 0 : i32
    %cond3A_3 = arith.cmpi ne, %convert_element_type3A, %cond3A : i32
    scf.if %cond3A_3 {
      %eq3A_9 = arith.constant 0 : i32
      %eq3A_10 = arith.cmpi eq, %arg1, %eq3A_9 : i32
      %convert_element_type3A_11 = arith.extui %eq3A_10 : i1 to i32
      %cond3A_12 = arith.constant 0 : i32
      %cond3A_13 = arith.cmpi ne, %convert_element_type3A_11, %cond3A_12 : i32
      scf.if %cond3A_13 {
        %broadcast_in_dim3A_133 = arith.constant 0 : i32
        %broadcast_in_dim3A_134 = vector.broadcast %broadcast_in_dim3A_133 : i32 to vector<1x128xi32>
        %swap3A_135 = arith.constant 0 : index
        %swap3A_136 = arith.constant 0 : index
        %swap3A_137 = vector.load %arg9[%swap3A_135, %swap3A_136] : memref<1x128xi32, #tpu.memory_space<vmem>>, vector<1x128xi32>
        tpu.vector_store %arg9[%swap3A_135, %swap3A_136], %broadcast_in_dim3A_134 {strides = array<i32>} : memref<1x128xi32, #tpu.memory_space<vmem>>, vector<1x128xi32>,
        %broadcast_in_dim3A_138 = arith.constant 0 : i32
        %broadcast_in_dim3A_139 = vector.broadcast %broadcast_in_dim3A_138 : i32 to vector<1x128xi32>
        %swap3A_140 = arith.constant 0 : index
        %swap3A_141 = arith.constant 0 : index
        %swap3A_142 = vector.load %arg10[%swap3A_140, %swap3A_141] : memref<1x128xi32, #tpu.memory_space<vmem>>, vector<1x128xi32>
        tpu.vector_store %arg10[%swap3A_140, %swap3A_141], %broadcast_in_dim3A_139 {strides = array<i32>} : memref<1x128xi32, #tpu.memory_space<vmem>>, vector<1x128xi32>,
      } else {
      }
      %get3A = arith.constant 0 : index
      %get3A_14 = arith.constant 0 : index
      %get3A_15 = vector.load %arg2[%get3A, %get3A_14] : memref<1024x768xf32, #tpu.memory_space<vmem>>, vector<1024x768xf32>
      %bitcast_convert_type3A = tpu.bitcast %get3A_15 : vector<1024x768xf32> -> vector<1024x768xi32>
      %slice3A = vector.extract_strided_slice %bitcast_convert_type3A {offsets = [0, 384], sizes = [1024, 384], strides = [1, 1]} : vector<1024x768xi32> to vector<1024x384xi32>
      %add3A = arith.constant 32767 : i32
      %add3A_16 = vector.broadcast %add3A : i32 to vector<1024x384xi32>
      %add3A_17 = arith.addi %slice3A, %add3A_16 : vector<1024x384xi32>
      %shift_right_logical3A = arith.constant 16 : i32
      %shift_right_logical3A_18 = vector.broadcast %shift_right_logical3A : i32 to vector<1024x384xi32>
      %shift_right_logical3A_19 = arith.shrui %slice3A, %shift_right_logical3A_18 : vector<1024x384xi32>
      %and3A = arith.constant 1 : i32
      %and3A_20 = vector.broadcast %and3A : i32 to vector<1024x384xi32>
      %and3A_21 = arith.andi %shift_right_logical3A_19, %and3A_20 : vector<1024x384xi32>
      %add3A_22 = arith.addi %add3A_17, %and3A_21 : vector<1024x384xi32>
      %and3A_23 = arith.constant -65536 : i32
      %and3A_24 = vector.broadcast %and3A_23 : i32 to vector<1024x384xi32>
      %and3A_25 = arith.andi %add3A_22, %and3A_24 : vector<1024x384xi32>
      %slice3A_26 = vector.extract_strided_slice %bitcast_convert_type3A {offsets = [0, 0], sizes = [1024, 384], strides = [1, 1]} : vector<1024x768xi32> to vector<1024x384xi32>
      %add3A_27 = arith.constant 32767 : i32
      %add3A_28 = vector.broadcast %add3A_27 : i32 to vector<1024x384xi32>
      %add3A_29 = arith.addi %slice3A_26, %add3A_28 : vector<1024x384xi32>
      %shift_right_logical3A_30 = arith.constant 16 : i32
      %shift_right_logical3A_31 = vector.broadcast %shift_right_logical3A_30 : i32 to vector<1024x384xi32>
      %shift_right_logical3A_32 = arith.shrui %slice3A_26, %shift_right_logical3A_31 : vector<1024x384xi32>
      %and3A_33 = arith.constant 1 : i32
      %and3A_34 = vector.broadcast %and3A_33 : i32 to vector<1024x384xi32>
      %and3A_35 = arith.andi %shift_right_logical3A_32, %and3A_34 : vector<1024x384xi32>
      %add3A_36 = arith.addi %add3A_29, %and3A_35 : vector<1024x384xi32>
      %and3A_37 = arith.constant -65536 : i32
      %and3A_38 = vector.broadcast %and3A_37 : i32 to vector<1024x384xi32>
      %and3A_39 = arith.andi %add3A_36, %and3A_38 : vector<1024x384xi32>
      %shift_right_logical3A_40 = arith.constant 16 : i32
      %shift_right_logical3A_41 = vector.broadcast %shift_right_logical3A_40 : i32 to vector<1024x384xi32>
      %shift_right_logical3A_42 = arith.shrui %and3A_39, %shift_right_logical3A_41 : vector<1024x384xi32>
      %or3A = arith.ori %and3A_25, %shift_right_logical3A_42 : vector<1024x384xi32>
      %bitcast_convert_type3A_43 = tpu.bitcast %or3A : vector<1024x384xi32> -> vector<1024x384xi32>
      %swap3A = arith.constant 0 : index
      %swap3A_44 = arith.constant 0 : index
      %swap3A_45 = vector.load %arg7[%swap3A, %swap3A_44] : memref<1024x384xi32, #tpu.memory_space<vmem>>, vector<1024x384xi32>
      tpu.vector_store %arg7[%swap3A, %swap3A_44], %bitcast_convert_type3A_43 {strides = array<i32>} : memref<1024x384xi32, #tpu.memory_space<vmem>>, vector<1024x384xi32>,
      %get3A_46 = arith.constant 0 : index
      %get3A_47 = arith.constant 0 : index
      %get3A_48 = vector.load %arg2[%get3A_46, %get3A_47] : memref<1024x768xf32, #tpu.memory_space<vmem>>, vector<1024x768xf32>
      %get3A_49 = arith.constant 0 : index
      %get3A_50 = arith.constant 0 : index
      %get3A_51 = vector.load %arg3[%get3A_49, %get3A_50] : memref<768x128xf32, #tpu.memory_space<vmem>>, vector<768x128xf32>
      %dot_general3A = arith.constant dense<0.000000e+00> : vector<1024x128xf32>
      %dot_general3A_52 = tpu.matmul %get3A_48, %get3A_51, %dot_general3A {dimension_numbers = #tpu.dot_dimension_numbers<[1], [0], [0], [1], [0, 0, 1, 1], [], []>, transpose_lhs_hint = false} : vector<1024x768xf32>, vector<768x128xf32>, vector<1024x128xf32> -> vector<1024x128xf32>
      %lt3A = arith.constant 8 : i32
      %lt3A_53 = vector.broadcast %lt3A : i32 to vector<1024x128xi32>
      %lt3A_54 = arith.cmpi slt, %iota3A, %lt3A_53 : vector<1024x128xi32>
      %jit3A = arith.constant -1.000000e+30 : f32
      %broadcast_in_dim3A = vector.broadcast %jit3A : f32 to vector<1024x128xf32>
      %select_n3A = arith.select %lt3A_54, %dot_general3A_52, %broadcast_in_dim3A : vector<1024x128xi1>, vector<1024x128xf32>
      %reduce_max3A = arith.constant dense<0xFF800000> : vector<1024xf32>
      %reduce_max3A_55 = vector.multi_reduction <maximumf>, %select_n3A, %reduce_max3A [1] : vector<1024x128xf32> to vector<1024xf32>
      %broadcast_in_dim3A_56 = vector.shape_cast %reduce_max3A_55 : vector<1024xf32> to vector<1024x1xf32>
      %eq3A_57 = vector.broadcast %broadcast_in_dim3A_56 : vector<1024x1xf32> to vector<1024x128xf32>
      %eq3A_58 = arith.cmpf oeq, %select_n3A, %eq3A_57 : vector<1024x128xf32>
      %jit3A_59 = arith.constant 1000000000 : i32
      %broadcast_in_dim3A_60 = vector.broadcast %jit3A_59 : i32 to vector<1024x128xi32>
      %select_n3A_61 = arith.select %eq3A_58, %iota3A, %broadcast_in_dim3A_60 : vector<1024x128xi1>, vector<1024x128xi32>
      %reduce_min3A = arith.constant dense<2147483647> : vector<1024xi32>
      %reduce_min3A_62 = vector.multi_reduction <minsi>, %select_n3A_61, %reduce_min3A [1] : vector<1024x128xi32> to vector<1024xi32>
      %broadcast_in_dim3A_63 = vector.shape_cast %reduce_min3A_62 : vector<1024xi32> to vector<1024x1xi32>
      %eq3A_64 = vector.broadcast %broadcast_in_dim3A_63 : vector<1024x1xi32> to vector<1024x128xi32>
      %eq3A_65 = arith.cmpi eq, %iota3A, %eq3A_64 : vector<1024x128xi32>
      %jit3A_66 = arith.constant -1.000000e+30 : f32
      %broadcast_in_dim3A_67 = vector.broadcast %jit3A_66 : f32 to vector<1024x128xf32>
      %select_n3A_68 = arith.select %eq3A_65, %broadcast_in_dim3A_67, %select_n3A : vector<1024x128xi1>, vector<1024x128xf32>
      %reduce_max3A_69 = arith.constant dense<0xFF800000> : vector<1024xf32>
      %reduce_max3A_70 = vector.multi_reduction <maximumf>, %select_n3A_68, %reduce_max3A_69 [1] : vector<1024x128xf32> to vector<1024xf32>
      %broadcast_in_dim3A_71 = vector.shape_cast %reduce_max3A_70 : vector<1024xf32> to vector<1024x1xf32>
      %eq3A_72 = vector.broadcast %broadcast_in_dim3A_71 : vector<1024x1xf32> to vector<1024x128xf32>
      %eq3A_73 = arith.cmpf oeq, %select_n3A_68, %eq3A_72 : vector<1024x128xf32>
      %jit3A_74 = arith.constant 1000000000 : i32
      %broadcast_in_dim3A_75 = vector.broadcast %jit3A_74 : i32 to vector<1024x128xi32>
      %select_n3A_76 = arith.select %eq3A_73, %iota3A, %broadcast_in_dim3A_75 : vector<1024x128xi1>, vector<1024x128xi32>
      %reduce_min3A_77 = arith.constant dense<2147483647> : vector<1024xi32>
      %reduce_min3A_78 = vector.multi_reduction <minsi>, %select_n3A_76, %reduce_min3A_77 [1] : vector<1024x128xi32> to vector<1024xi32>
      %broadcast_in_dim3A_79 = vector.shape_cast %reduce_min3A_78 : vector<1024xi32> to vector<1024x1xi32>
      %sub3A = arith.subf %broadcast_in_dim3A_56, %broadcast_in_dim3A_71 : vector<1024x1xf32>
      %logistic3A = arith.negf %sub3A : vector<1024x1xf32>
      %logistic3A_80 = math.exp %logistic3A : vector<1024x1xf32>
      %logistic3A_81 = arith.constant 1.000000e+00 : f32
      %logistic3A_82 = vector.broadcast %logistic3A_81 : f32 to vector<1024x1xf32>
      %logistic3A_83 = arith.addf %logistic3A_82, %logistic3A_80 : vector<1024x1xf32>
      %logistic3A_84 = arith.divf %logistic3A_82, %logistic3A_83 : vector<1024x1xf32>
      %squeeze3A = vector.shape_cast %broadcast_in_dim3A_63 : vector<1024x1xi32> to vector<1024xi32>
      %broadcast_in_dim3A_85 = vector.shape_cast %squeeze3A : vector<1024xi32> to vector<1x1024xi32>
      %broadcast_in_dim3A_86 = vector.shape_cast %broadcast_in_dim3A_85 : vector<1x1024xi32> to vector<1x1024xi32>
      %broadcast_in_dim3A_87 = vector.broadcast %broadcast_in_dim3A_86 : vector<1x1024xi32> to vector<8x1024xi32>
      %squeeze3A_88 = vector.shape_cast %broadcast_in_dim3A_79 : vector<1024x1xi32> to vector<1024xi32>
      %broadcast_in_dim3A_89 = vector.shape_cast %squeeze3A_88 : vector<1024xi32> to vector<1x1024xi32>
      %broadcast_in_dim3A_90 = vector.shape_cast %broadcast_in_dim3A_89 : vector<1x1024xi32> to vector<1x1024xi32>
      %broadcast_in_dim3A_91 = vector.broadcast %broadcast_in_dim3A_90 : vector<1x1024xi32> to vector<8x1024xi32>
      %eq3A_92 = arith.constant 0 : i32
      %eq3A_93 = vector.broadcast %eq3A_92 : i32 to vector<8x1024xi32>
      %eq3A_94 = arith.cmpi eq, %iota3A_1, %eq3A_93 : vector<8x1024xi32>
      %eq3A_95 = arith.constant 1 : i32
      %eq3A_96 = vector.broadcast %eq3A_95 : i32 to vector<8x1024xi32>
      %eq3A_97 = arith.cmpi eq, %iota3A_1, %eq3A_96 : vector<8x1024xi32>
      %jit3A_98 = arith.constant 0 : i32
      %broadcast_in_dim3A_99 = vector.broadcast %jit3A_98 : i32 to vector<8x1024xi32>
      %select_n3A_100 = arith.select %eq3A_97, %broadcast_in_dim3A_91, %broadcast_in_dim3A_99 : vector<8x1024xi1>, vector<8x1024xi32>
      %select_n3A_101 = arith.select %eq3A_94, %broadcast_in_dim3A_87, %select_n3A_100 : vector<8x1024xi1>, vector<8x1024xi32>
      %mul3A = arith.constant 1024 : i32
      %mul3A_102 = arith.muli %arg1, %mul3A : i32
      %swap3A_103 = arith.constant 0 : index
      %swap3A_104 = arith.index_cast %mul3A_102 : i32 to index
      %swap3A_105 = vector.load %arg8[%swap3A_103, %swap3A_104] : memref<8x2048xi32, #tpu.memory_space<vmem>>, vector<8x1024xi32>
      tpu.vector_store %arg8[%swap3A_103, %swap3A_104], %select_n3A_101 {strides = array<i32>} : memref<8x2048xi32, #tpu.memory_space<vmem>>, vector<8x1024xi32>,
      %broadcast_in_dim3A_106 = vector.shape_cast %logistic3A_84 : vector<1024x1xf32> to vector<1024x1xf32>
      %broadcast_in_dim3A_107 = vector.broadcast %broadcast_in_dim3A_106 : vector<1024x1xf32> to vector<1024x16xf32>
      %broadcast_in_dim3A_108 = vector.shape_cast %broadcast_in_dim3A_107 : vector<1024x16xf32> to vector<1x1024x16xf32>
      %sub3A_109 = arith.constant 1.000000e+00 : f32
      %sub3A_110 = vector.broadcast %sub3A_109 : f32 to vector<1024x16xf32>
      %sub3A_111 = arith.subf %sub3A_110, %broadcast_in_dim3A_107 : vector<1024x16xf32>
      %broadcast_in_dim3A_112 = vector.shape_cast %sub3A_111 : vector<1024x16xf32> to vector<1x1024x16xf32>
      %concatenate3A = tpu.concatenate %broadcast_in_dim3A_108, %broadcast_in_dim3A_112 in 0 : vector<1x1024x16xf32>, vector<1x1024x16xf32> -> vector<2x1024x16xf32>
      %swap3A_113 = arith.constant 0 : index
      %swap3A_114 = arith.constant 0 : index
      %swap3A_115 = arith.constant 0 : index
      %swap3A_116 = vector.load %arg4[%swap3A_113, %swap3A_114, %swap3A_115] : memref<2x1024x16xf32, #tpu.memory_space<vmem>>, vector<2x1024x16xf32>
      tpu.vector_store %arg4[%swap3A_113, %swap3A_114, %swap3A_115], %concatenate3A {strides = array<i32>} : memref<2x1024x16xf32, #tpu.memory_space<vmem>>, vector<2x1024x16xf32>,
      %eq3A_117 = vector.broadcast %broadcast_in_dim3A_63 : vector<1024x1xi32> to vector<1024x128xi32>
      %eq3A_118 = arith.cmpi eq, %iota3A, %eq3A_117 : vector<1024x128xi32>
      %convert_element_type3A_119 = arith.extui %eq3A_118 : vector<1024x128xi1> to vector<1024x128xi32>
      %eq3A_120 = vector.broadcast %broadcast_in_dim3A_79 : vector<1024x1xi32> to vector<1024x128xi32>
      %eq3A_121 = arith.cmpi eq, %iota3A, %eq3A_120 : vector<1024x128xi32>
      %convert_element_type3A_122 = arith.extui %eq3A_121 : vector<1024x128xi1> to vector<1024x128xi32>
      %add3A_123 = arith.addi %convert_element_type3A_119, %convert_element_type3A_122 : vector<1024x128xi32>
      %get3A_124 = arith.constant 0 : index
      %get3A_125 = arith.constant 0 : index
      %get3A_126 = vector.load %arg9[%get3A_124, %get3A_125] : memref<1x128xi32, #tpu.memory_space<vmem>>, vector<1x128xi32>
      %reduce_sum3A = arith.constant dense<0> : vector<128xi32>
      %reduce_sum3A_127 = vector.multi_reduction <add>, %add3A_123, %reduce_sum3A [0] : vector<1024x128xi32> to vector<128xi32>
      %broadcast_in_dim3A_128 = vector.shape_cast %reduce_sum3A_127 : vector<128xi32> to vector<1x128xi32>
      %add3A_129 = arith.addi %get3A_126, %broadcast_in_dim3A_128 : vector<1x128xi32>
      %swap3A_130 = arith.constant 0 : index
      %swap3A_131 = arith.constant 0 : index
      %swap3A_132 = vector.load %arg9[%swap3A_130, %swap3A_131] : memref<1x128xi32, #tpu.memory_space<vmem>>, vector<1x128xi32>
      tpu.vector_store %arg9[%swap3A_130, %swap3A_131], %add3A_129 {strides = array<i32>} : memref<1x128xi32, #tpu.memory_space<vmem>>, vector<1x128xi32>,
    } else {
    }
    %eq3A_4 = arith.constant 1 : i32
    %eq3A_5 = arith.cmpi eq, %arg0, %eq3A_4 : i32
    %convert_element_type3A_6 = arith.extui %eq3A_5 : i1 to i32
    %cond3A_7 = arith.constant 0 : i32
    %cond3A_8 = arith.cmpi ne, %convert_element_type3A_6, %cond3A_7 : i32
    scf.if %cond3A_8 {
      %get3A = arith.constant 0 : index
      %get3A_9 = arith.constant 0 : index
      %get3A_10 = vector.load %arg9[%get3A, %get3A_9] : memref<1x128xi32, #tpu.memory_space<vmem>>, vector<1x128xi32>
      %add3A = arith.constant 511 : i32
      %add3A_11 = vector.broadcast %add3A : i32 to vector<1x128xi32>
      %add3A_12 = arith.addi %get3A_10, %add3A_11 : vector<1x128xi32>
      %jit3A = arith.constant 512 : i32
      %div3A = vector.broadcast %jit3A : i32 to vector<1x128xi32>
      %div3A_13 = arith.divsi %add3A_12, %div3A : vector<1x128xi32>
      %sign3A = arith.constant 0 : i32
      %sign3A_14 = vector.broadcast %sign3A : i32 to vector<1x128xi32>
      %sign3A_15 = arith.cmpi sgt, %add3A_12, %sign3A_14 : vector<1x128xi32>
      %sign3A_16 = arith.extui %sign3A_15 : vector<1x128xi1> to vector<1x128xi32>
      %sign3A_17 = arith.constant 0 : i32
      %sign3A_18 = vector.broadcast %sign3A_17 : i32 to vector<1x128xi32>
      %sign3A_19 = arith.cmpi slt, %add3A_12, %sign3A_18 : vector<1x128xi32>
      %sign3A_20 = arith.extui %sign3A_19 : vector<1x128xi1> to vector<1x128xi32>
      %sign3A_21 = arith.subi %sign3A_16, %sign3A_20 : vector<1x128xi32>
      %sign3A_22 = arith.constant 0 : i32
      %sign3A_23 = arith.cmpi sgt, %jit3A, %sign3A_22 : i32
      %sign3A_24 = arith.extui %sign3A_23 : i1 to i32
      %sign3A_25 = arith.constant 0 : i32
      %sign3A_26 = arith.cmpi slt, %jit3A, %sign3A_25 : i32
      %sign3A_27 = arith.extui %sign3A_26 : i1 to i32
      %sign3A_28 = arith.subi %sign3A_24, %sign3A_27 : i32
      %ne3A = vector.broadcast %sign3A_28 : i32 to vector<1x128xi32>
      %ne3A_29 = arith.cmpi ne, %sign3A_21, %ne3A : vector<1x128xi32>
      %rem3A = vector.broadcast %jit3A : i32 to vector<1x128xi32>
      %rem3A_30 = arith.remsi %add3A_12, %rem3A : vector<1x128xi32>
      %ne3A_31 = arith.constant 0 : i32
      %ne3A_32 = vector.broadcast %ne3A_31 : i32 to vector<1x128xi32>
      %ne3A_33 = arith.cmpi ne, %rem3A_30, %ne3A_32 : vector<1x128xi32>
      %and3A = arith.andi %ne3A_29, %ne3A_33 : vector<1x128xi1>
      %sub3A = arith.constant 1 : i32
      %sub3A_34 = vector.broadcast %sub3A : i32 to vector<1x128xi32>
      %sub3A_35 = arith.subi %div3A_13, %sub3A_34 : vector<1x128xi32>
      %select_n3A = arith.select %and3A, %sub3A_35, %div3A_13 : vector<1x128xi1>, vector<1x128xi32>
      %mul3A = arith.constant 512 : i32
      %mul3A_36 = vector.broadcast %mul3A : i32 to vector<1x128xi32>
      %mul3A_37 = arith.muli %select_n3A, %mul3A_36 : vector<1x128xi32>
      %lt3A = arith.constant 8 : i32
      %lt3A_38 = vector.broadcast %lt3A : i32 to vector<1x128xi32>
      %lt3A_39 = arith.cmpi slt, %iota3A_0, %lt3A_38 : vector<1x128xi32>
      %jit3A_40 = arith.constant 0 : i32
      %broadcast_in_dim3A = vector.broadcast %jit3A_40 : i32 to vector<1x128xi32>
      %select_n3A_41 = arith.select %lt3A_39, %mul3A_37, %broadcast_in_dim3A : vector<1x128xi1>, vector<1x128xi32>
      %broadcast_in_dim3A_42 = arith.constant 0 : i32
      %broadcast_in_dim3A_43 = vector.broadcast %broadcast_in_dim3A_42 : i32 to vector<1x1xi32>
      %slice3A = vector.extract_strided_slice %select_n3A_41 {offsets = [0, 0], sizes = [1, 127], strides = [1, 1]} : vector<1x128xi32> to vector<1x127xi32>
      %concatenate3A = tpu.concatenate %broadcast_in_dim3A_43, %slice3A in 1 : vector<1x1xi32>, vector<1x127xi32> -> vector<1x128xi32>
      %add3A_44 = arith.addi %select_n3A_41, %concatenate3A : vector<1x128xi32>
      %broadcast_in_dim3A_45 = arith.constant 0 : i32
      %broadcast_in_dim3A_46 = vector.broadcast %broadcast_in_dim3A_45 : i32 to vector<1x2xi32>
      %slice3A_47 = vector.extract_strided_slice %add3A_44 {offsets = [0, 0], sizes = [1, 126], strides = [1, 1]} : vector<1x128xi32> to vector<1x126xi32>
      %concatenate3A_48 = tpu.concatenate %broadcast_in_dim3A_46, %slice3A_47 in 1 : vector<1x2xi32>, vector<1x126xi32> -> vector<1x128xi32>
      %add3A_49 = arith.addi %add3A_44, %concatenate3A_48 : vector<1x128xi32>
      %broadcast_in_dim3A_50 = arith.constant 0 : i32
      %broadcast_in_dim3A_51 = vector.broadcast %broadcast_in_dim3A_50 : i32 to vector<1x4xi32>
      %slice3A_52 = vector.extract_strided_slice %add3A_49 {offsets = [0, 0], sizes = [1, 124], strides = [1, 1]} : vector<1x128xi32> to vector<1x124xi32>
      %concatenate3A_53 = tpu.concatenate %broadcast_in_dim3A_51, %slice3A_52 in 1 : vector<1x4xi32>, vector<1x124xi32> -> vector<1x128xi32>
      %add3A_54 = arith.addi %add3A_49, %concatenate3A_53 : vector<1x128xi32>
      %sub3A_55 = arith.subi %add3A_54, %select_n3A_41 : vector<1x128xi32>
      %eq3A_56 = arith.constant 0 : i32
      %eq3A_57 = arith.cmpi eq, %arg1, %eq3A_56 : i32
      %convert_element_type3A_58 = arith.extui %eq3A_57 : i1 to i32
      %cond3A_59 = arith.constant 0 : i32
      %cond3A_60 = arith.cmpi ne, %convert_element_type3A_58, %cond3A_59 : i32
      scf.if %cond3A_60 {
        %jit3A_180 = arith.constant 512 : i32
        %div3A_181 = vector.broadcast %jit3A_180 : i32 to vector<1x128xi32>
        %div3A_182 = arith.divsi %sub3A_55, %div3A_181 : vector<1x128xi32>
        %sign3A_183 = arith.constant 0 : i32
        %sign3A_184 = vector.broadcast %sign3A_183 : i32 to vector<1x128xi32>
        %sign3A_185 = arith.cmpi sgt, %sub3A_55, %sign3A_184 : vector<1x128xi32>
        %sign3A_186 = arith.extui %sign3A_185 : vector<1x128xi1> to vector<1x128xi32>
        %sign3A_187 = arith.constant 0 : i32
        %sign3A_188 = vector.broadcast %sign3A_187 : i32 to vector<1x128xi32>
        %sign3A_189 = arith.cmpi slt, %sub3A_55, %sign3A_188 : vector<1x128xi32>
        %sign3A_190 = arith.extui %sign3A_189 : vector<1x128xi1> to vector<1x128xi32>
        %sign3A_191 = arith.subi %sign3A_186, %sign3A_190 : vector<1x128xi32>
        %sign3A_192 = arith.constant 0 : i32
        %sign3A_193 = arith.cmpi sgt, %jit3A_180, %sign3A_192 : i32
        %sign3A_194 = arith.extui %sign3A_193 : i1 to i32
        %sign3A_195 = arith.constant 0 : i32
        %sign3A_196 = arith.cmpi slt, %jit3A_180, %sign3A_195 : i32
        %sign3A_197 = arith.extui %sign3A_196 : i1 to i32
        %sign3A_198 = arith.subi %sign3A_194, %sign3A_197 : i32
        %ne3A_199 = vector.broadcast %sign3A_198 : i32 to vector<1x128xi32>
        %ne3A_200 = arith.cmpi ne, %sign3A_191, %ne3A_199 : vector<1x128xi32>
        %rem3A_201 = vector.broadcast %jit3A_180 : i32 to vector<1x128xi32>
        %rem3A_202 = arith.remsi %sub3A_55, %rem3A_201 : vector<1x128xi32>
        %ne3A_203 = arith.constant 0 : i32
        %ne3A_204 = vector.broadcast %ne3A_203 : i32 to vector<1x128xi32>
        %ne3A_205 = arith.cmpi ne, %rem3A_202, %ne3A_204 : vector<1x128xi32>
        %and3A_206 = arith.andi %ne3A_200, %ne3A_205 : vector<1x128xi1>
        %sub3A_207 = arith.constant 1 : i32
        %sub3A_208 = vector.broadcast %sub3A_207 : i32 to vector<1x128xi32>
        %sub3A_209 = arith.subi %div3A_182, %sub3A_208 : vector<1x128xi32>
        %select_n3A_210 = arith.select %and3A_206, %sub3A_209, %div3A_182 : vector<1x128xi1>, vector<1x128xi32>
        %broadcast_in_dim3A_211 = arith.constant -1 : i32
        %broadcast_in_dim3A_212 = vector.broadcast %broadcast_in_dim3A_211 : i32 to vector<1x128xi32>
        %eq3A_213 = arith.constant 0 : i32
        %eq3A_214 = vector.broadcast %eq3A_213 : i32 to vector<1x128xi32>
        %eq3A_215 = arith.cmpi eq, %iota3A_0, %eq3A_214 : vector<1x128xi32>
        %jit3A_216 = arith.constant 0 : i32
        %broadcast_in_dim3A_217 = vector.broadcast %jit3A_216 : i32 to vector<1x128xi32>
        %select_n3A_218 = arith.select %eq3A_215, %select_n3A_210, %broadcast_in_dim3A_217 : vector<1x128xi1>, vector<1x128xi32>
        %reduce_sum3A_219 = vector.shape_cast %select_n3A_218 : vector<1x128xi32> to vector<1x1x128xi32>
        %reduce_sum3A_220 = arith.constant dense<0> : vector<1xi32>
        %reduce_sum3A_221 = vector.multi_reduction <add>, %reduce_sum3A_219, %reduce_sum3A_220 [1, 2] : vector<1x1x128xi32> to vector<1xi32>
        %reduce_sum3A_222 = vector.shape_cast %reduce_sum3A_221 : vector<1xi32> to vector<1x1x1xi32>
        %reduce_sum3A_223 = vector.extract %reduce_sum3A_222[0, 0, 0] : i32 from vector<1x1x1xi32>
        %ge3A = vector.broadcast %reduce_sum3A_223 : i32 to vector<1x128xi32>
        %ge3A_224 = arith.cmpi sge, %iota3A_0, %ge3A : vector<1x128xi32>
        %convert_element_type3A_225 = arith.extui %ge3A_224 : vector<1x128xi1> to vector<1x128xi32>
        %add3A_226 = arith.addi %broadcast_in_dim3A_212, %convert_element_type3A_225 : vector<1x128xi32>
        %eq3A_227 = arith.constant 1 : i32
        %eq3A_228 = vector.broadcast %eq3A_227 : i32 to vector<1x128xi32>
        %eq3A_229 = arith.cmpi eq, %iota3A_0, %eq3A_228 : vector<1x128xi32>
        %jit3A_230 = arith.constant 0 : i32
        %broadcast_in_dim3A_231 = vector.broadcast %jit3A_230 : i32 to vector<1x128xi32>
        %select_n3A_232 = arith.select %eq3A_229, %select_n3A_210, %broadcast_in_dim3A_231 : vector<1x128xi1>, vector<1x128xi32>
        %reduce_sum3A_233 = vector.shape_cast %select_n3A_232 : vector<1x128xi32> to vector<1x1x128xi32>
        %reduce_sum3A_234 = arith.constant dense<0> : vector<1xi32>
        %reduce_sum3A_235 = vector.multi_reduction <add>, %reduce_sum3A_233, %reduce_sum3A_234 [1, 2] : vector<1x1x128xi32> to vector<1xi32>
        %reduce_sum3A_236 = vector.shape_cast %reduce_sum3A_235 : vector<1xi32> to vector<1x1x1xi32>
        %reduce_sum3A_237 = vector.extract %reduce_sum3A_236[0, 0, 0] : i32 from vector<1x1x1xi32>
        %ge3A_238 = vector.broadcast %reduce_sum3A_237 : i32 to vector<1x128xi32>
        %ge3A_239 = arith.cmpi sge, %iota3A_0, %ge3A_238 : vector<1x128xi32>
        %convert_element_type3A_240 = arith.extui %ge3A_239 : vector<1x128xi1> to vector<1x128xi32>
        %add3A_241 = arith.addi %add3A_226, %convert_element_type3A_240 : vector<1x128xi32>
        %eq3A_242 = arith.constant 2 : i32
        %eq3A_243 = vector.broadcast %eq3A_242 : i32 to vector<1x128xi32>
        %eq3A_244 = arith.cmpi eq, %iota3A_0, %eq3A_243 : vector<1x128xi32>
        %jit3A_245 = arith.constant 0 : i32
        %broadcast_in_dim3A_246 = vector.broadcast %jit3A_245 : i32 to vector<1x128xi32>
        %select_n3A_247 = arith.select %eq3A_244, %select_n3A_210, %broadcast_in_dim3A_246 : vector<1x128xi1>, vector<1x128xi32>
        %reduce_sum3A_248 = vector.shape_cast %select_n3A_247 : vector<1x128xi32> to vector<1x1x128xi32>
        %reduce_sum3A_249 = arith.constant dense<0> : vector<1xi32>
        %reduce_sum3A_250 = vector.multi_reduction <add>, %reduce_sum3A_248, %reduce_sum3A_249 [1, 2] : vector<1x1x128xi32> to vector<1xi32>
        %reduce_sum3A_251 = vector.shape_cast %reduce_sum3A_250 : vector<1xi32> to vector<1x1x1xi32>
        %reduce_sum3A_252 = vector.extract %reduce_sum3A_251[0, 0, 0] : i32 from vector<1x1x1xi32>
        %ge3A_253 = vector.broadcast %reduce_sum3A_252 : i32 to vector<1x128xi32>
        %ge3A_254 = arith.cmpi sge, %iota3A_0, %ge3A_253 : vector<1x128xi32>
        %convert_element_type3A_255 = arith.extui %ge3A_254 : vector<1x128xi1> to vector<1x128xi32>
        %add3A_256 = arith.addi %add3A_241, %convert_element_type3A_255 : vector<1x128xi32>
        %eq3A_257 = arith.constant 3 : i32
        %eq3A_258 = vector.broadcast %eq3A_257 : i32 to vector<1x128xi32>
        %eq3A_259 = arith.cmpi eq, %iota3A_0, %eq3A_258 : vector<1x128xi32>
        %jit3A_260 = arith.constant 0 : i32
        %broadcast_in_dim3A_261 = vector.broadcast %jit3A_260 : i32 to vector<1x128xi32>
        %select_n3A_262 = arith.select %eq3A_259, %select_n3A_210, %broadcast_in_dim3A_261 : vector<1x128xi1>, vector<1x128xi32>
        %reduce_sum3A_263 = vector.shape_cast %select_n3A_262 : vector<1x128xi32> to vector<1x1x128xi32>
        %reduce_sum3A_264 = arith.constant dense<0> : vector<1xi32>
        %reduce_sum3A_265 = vector.multi_reduction <add>, %reduce_sum3A_263, %reduce_sum3A_264 [1, 2] : vector<1x1x128xi32> to vector<1xi32>
        %reduce_sum3A_266 = vector.shape_cast %reduce_sum3A_265 : vector<1xi32> to vector<1x1x1xi32>
        %reduce_sum3A_267 = vector.extract %reduce_sum3A_266[0, 0, 0] : i32 from vector<1x1x1xi32>
        %ge3A_268 = vector.broadcast %reduce_sum3A_267 : i32 to vector<1x128xi32>
        %ge3A_269 = arith.cmpi sge, %iota3A_0, %ge3A_268 : vector<1x128xi32>
        %convert_element_type3A_270 = arith.extui %ge3A_269 : vector<1x128xi1> to vector<1x128xi32>
        %add3A_271 = arith.addi %add3A_256, %convert_element_type3A_270 : vector<1x128xi32>
        %eq3A_272 = arith.constant 4 : i32
        %eq3A_273 = vector.broadcast %eq3A_272 : i32 to vector<1x128xi32>
        %eq3A_274 = arith.cmpi eq, %iota3A_0, %eq3A_273 : vector<1x128xi32>
        %jit3A_275 = arith.constant 0 : i32
        %broadcast_in_dim3A_276 = vector.broadcast %jit3A_275 : i32 to vector<1x128xi32>
        %select_n3A_277 = arith.select %eq3A_274, %select_n3A_210, %broadcast_in_dim3A_276 : vector<1x128xi1>, vector<1x128xi32>
        %reduce_sum3A_278 = vector.shape_cast %select_n3A_277 : vector<1x128xi32> to vector<1x1x128xi32>
        %reduce_sum3A_279 = arith.constant dense<0> : vector<1xi32>
        %reduce_sum3A_280 = vector.multi_reduction <add>, %reduce_sum3A_278, %reduce_sum3A_279 [1, 2] : vector<1x1x128xi32> to vector<1xi32>
        %reduce_sum3A_281 = vector.shape_cast %reduce_sum3A_280 : vector<1xi32> to vector<1x1x1xi32>
        %reduce_sum3A_282 = vector.extract %reduce_sum3A_281[0, 0, 0] : i32 from vector<1x1x1xi32>
        %ge3A_283 = vector.broadcast %reduce_sum3A_282 : i32 to vector<1x128xi32>
        %ge3A_284 = arith.cmpi sge, %iota3A_0, %ge3A_283 : vector<1x128xi32>
        %convert_element_type3A_285 = arith.extui %ge3A_284 : vector<1x128xi1> to vector<1x128xi32>
        %add3A_286 = arith.addi %add3A_271, %convert_element_type3A_285 : vector<1x128xi32>
        %eq3A_287 = arith.constant 5 : i32
        %eq3A_288 = vector.broadcast %eq3A_287 : i32 to vector<1x128xi32>
        %eq3A_289 = arith.cmpi eq, %iota3A_0, %eq3A_288 : vector<1x128xi32>
        %jit3A_290 = arith.constant 0 : i32
        %broadcast_in_dim3A_291 = vector.broadcast %jit3A_290 : i32 to vector<1x128xi32>
        %select_n3A_292 = arith.select %eq3A_289, %select_n3A_210, %broadcast_in_dim3A_291 : vector<1x128xi1>, vector<1x128xi32>
        %reduce_sum3A_293 = vector.shape_cast %select_n3A_292 : vector<1x128xi32> to vector<1x1x128xi32>
        %reduce_sum3A_294 = arith.constant dense<0> : vector<1xi32>
        %reduce_sum3A_295 = vector.multi_reduction <add>, %reduce_sum3A_293, %reduce_sum3A_294 [1, 2] : vector<1x1x128xi32> to vector<1xi32>
        %reduce_sum3A_296 = vector.shape_cast %reduce_sum3A_295 : vector<1xi32> to vector<1x1x1xi32>
        %reduce_sum3A_297 = vector.extract %reduce_sum3A_296[0, 0, 0] : i32 from vector<1x1x1xi32>
        %ge3A_298 = vector.broadcast %reduce_sum3A_297 : i32 to vector<1x128xi32>
        %ge3A_299 = arith.cmpi sge, %iota3A_0, %ge3A_298 : vector<1x128xi32>
        %convert_element_type3A_300 = arith.extui %ge3A_299 : vector<1x128xi1> to vector<1x128xi32>
        %add3A_301 = arith.addi %add3A_286, %convert_element_type3A_300 : vector<1x128xi32>
        %eq3A_302 = arith.constant 6 : i32
        %eq3A_303 = vector.broadcast %eq3A_302 : i32 to vector<1x128xi32>
        %eq3A_304 = arith.cmpi eq, %iota3A_0, %eq3A_303 : vector<1x128xi32>
        %jit3A_305 = arith.constant 0 : i32
        %broadcast_in_dim3A_306 = vector.broadcast %jit3A_305 : i32 to vector<1x128xi32>
        %select_n3A_307 = arith.select %eq3A_304, %select_n3A_210, %broadcast_in_dim3A_306 : vector<1x128xi1>, vector<1x128xi32>
        %reduce_sum3A_308 = vector.shape_cast %select_n3A_307 : vector<1x128xi32> to vector<1x1x128xi32>
        %reduce_sum3A_309 = arith.constant dense<0> : vector<1xi32>
        %reduce_sum3A_310 = vector.multi_reduction <add>, %reduce_sum3A_308, %reduce_sum3A_309 [1, 2] : vector<1x1x128xi32> to vector<1xi32>
        %reduce_sum3A_311 = vector.shape_cast %reduce_sum3A_310 : vector<1xi32> to vector<1x1x1xi32>
        %reduce_sum3A_312 = vector.extract %reduce_sum3A_311[0, 0, 0] : i32 from vector<1x1x1xi32>
        %ge3A_313 = vector.broadcast %reduce_sum3A_312 : i32 to vector<1x128xi32>
        %ge3A_314 = arith.cmpi sge, %iota3A_0, %ge3A_313 : vector<1x128xi32>
        %convert_element_type3A_315 = arith.extui %ge3A_314 : vector<1x128xi1> to vector<1x128xi32>
        %add3A_316 = arith.addi %add3A_301, %convert_element_type3A_315 : vector<1x128xi32>
        %eq3A_317 = arith.constant 7 : i32
        %eq3A_318 = vector.broadcast %eq3A_317 : i32 to vector<1x128xi32>
        %eq3A_319 = arith.cmpi eq, %iota3A_0, %eq3A_318 : vector<1x128xi32>
        %jit3A_320 = arith.constant 0 : i32
        %broadcast_in_dim3A_321 = vector.broadcast %jit3A_320 : i32 to vector<1x128xi32>
        %select_n3A_322 = arith.select %eq3A_319, %select_n3A_210, %broadcast_in_dim3A_321 : vector<1x128xi1>, vector<1x128xi32>
        %reduce_sum3A_323 = vector.shape_cast %select_n3A_322 : vector<1x128xi32> to vector<1x1x128xi32>
        %reduce_sum3A_324 = arith.constant dense<0> : vector<1xi32>
        %reduce_sum3A_325 = vector.multi_reduction <add>, %reduce_sum3A_323, %reduce_sum3A_324 [1, 2] : vector<1x1x128xi32> to vector<1xi32>
        %reduce_sum3A_326 = vector.shape_cast %reduce_sum3A_325 : vector<1xi32> to vector<1x1x1xi32>
        %reduce_sum3A_327 = vector.extract %reduce_sum3A_326[0, 0, 0] : i32 from vector<1x1x1xi32>
        %ge3A_328 = vector.broadcast %reduce_sum3A_327 : i32 to vector<1x128xi32>
        %ge3A_329 = arith.cmpi sge, %iota3A_0, %ge3A_328 : vector<1x128xi32>
        %convert_element_type3A_330 = arith.extui %ge3A_329 : vector<1x128xi1> to vector<1x128xi32>
        %add3A_331 = arith.addi %add3A_316, %convert_element_type3A_330 : vector<1x128xi32>
        %lt3A_332 = arith.constant 8 : i32
        %lt3A_333 = vector.broadcast %lt3A_332 : i32 to vector<1x128xi32>
        %lt3A_334 = arith.cmpi slt, %iota3A_0, %lt3A_333 : vector<1x128xi32>
        %jit3A_335 = arith.constant 0 : i32
        %broadcast_in_dim3A_336 = vector.broadcast %jit3A_335 : i32 to vector<1x128xi32>
        %select_n3A_337 = arith.select %lt3A_334, %select_n3A_41, %broadcast_in_dim3A_336 : vector<1x128xi1>, vector<1x128xi32>
        %reduce_sum3A_338 = vector.shape_cast %select_n3A_337 : vector<1x128xi32> to vector<1x1x128xi32>
        %reduce_sum3A_339 = arith.constant dense<0> : vector<1xi32>
        %reduce_sum3A_340 = vector.multi_reduction <add>, %reduce_sum3A_338, %reduce_sum3A_339 [1, 2] : vector<1x1x128xi32> to vector<1xi32>
        %reduce_sum3A_341 = vector.shape_cast %reduce_sum3A_340 : vector<1xi32> to vector<1x1x1xi32>
        %reduce_sum3A_342 = vector.extract %reduce_sum3A_341[0, 0, 0] : i32 from vector<1x1x1xi32>
        %jit3A_343 = arith.constant 512 : i32
        %div3A_344 = arith.divsi %reduce_sum3A_342, %jit3A_343 : i32
        %sign3A_345 = arith.constant 0 : i32
        %sign3A_346 = arith.cmpi sgt, %reduce_sum3A_342, %sign3A_345 : i32
        %sign3A_347 = arith.extui %sign3A_346 : i1 to i32
        %sign3A_348 = arith.constant 0 : i32
        %sign3A_349 = arith.cmpi slt, %reduce_sum3A_342, %sign3A_348 : i32
        %sign3A_350 = arith.extui %sign3A_349 : i1 to i32
        %sign3A_351 = arith.subi %sign3A_347, %sign3A_350 : i32
        %sign3A_352 = arith.constant 0 : i32
        %sign3A_353 = arith.cmpi sgt, %jit3A_343, %sign3A_352 : i32
        %sign3A_354 = arith.extui %sign3A_353 : i1 to i32
        %sign3A_355 = arith.constant 0 : i32
        %sign3A_356 = arith.cmpi slt, %jit3A_343, %sign3A_355 : i32
        %sign3A_357 = arith.extui %sign3A_356 : i1 to i32
        %sign3A_358 = arith.subi %sign3A_354, %sign3A_357 : i32
        %ne3A_359 = arith.cmpi ne, %sign3A_351, %sign3A_358 : i32
        %rem3A_360 = arith.remsi %reduce_sum3A_342, %jit3A_343 : i32
        %ne3A_361 = arith.constant 0 : i32
        %ne3A_362 = arith.cmpi ne, %rem3A_360, %ne3A_361 : i32
        %and3A_363 = arith.andi %ne3A_359, %ne3A_362 : i1
        %sub3A_364 = arith.constant 1 : i32
        %sub3A_365 = arith.subi %div3A_344, %sub3A_364 : i32
        %select_n3A_366 = arith.select %and3A_363, %sub3A_365, %div3A_344 : i32
        %eq3A_367 = arith.constant 120 : i32
        %eq3A_368 = vector.broadcast %eq3A_367 : i32 to vector<1x128xi32>
        %eq3A_369 = arith.cmpi eq, %iota3A_0, %eq3A_368 : vector<1x128xi32>
        %broadcast_in_dim3A_370 = vector.broadcast %select_n3A_366 : i32 to vector<1x128xi32>
        %select_n3A_371 = arith.select %eq3A_369, %broadcast_in_dim3A_370, %add3A_331 : vector<1x128xi1>, vector<1x128xi32>
        %broadcast_in_dim3A_372 = vector.shape_cast %select_n3A_371 : vector<1x128xi32> to vector<1x1x128xi32>
        %swap3A_373 = arith.constant 0 : index
        %swap3A_374 = arith.constant 0 : index
        %swap3A_375 = arith.constant 0 : index
        %swap3A_376 = vector.load %arg6[%swap3A_373, %swap3A_374, %swap3A_375] : memref<1x1x128xi32, #tpu.memory_space<vmem>>, vector<1x1x128xi32>
        tpu.vector_store %arg6[%swap3A_373, %swap3A_374, %swap3A_375], %broadcast_in_dim3A_372 {strides = array<i32>} : memref<1x1x128xi32, #tpu.memory_space<vmem>>, vector<1x1x128xi32>,
      } else {
      }
      %mul3A_61 = arith.constant 1024 : i32
      %mul3A_62 = arith.muli %arg1, %mul3A_61 : i32
      %get3A_63 = arith.constant 0 : index
      %get3A_64 = arith.index_cast %mul3A_62 : i32 to index
      %get3A_65 = vector.load %arg8[%get3A_63, %get3A_64] : memref<8x2048xi32, #tpu.memory_space<vmem>>, vector<1x1024xi32>
      %get3A_66 = vector.shape_cast %get3A_65 : vector<1x1024xi32> to vector<1024xi32>
      %broadcast_in_dim3A_67 = vector.shape_cast %get3A_66 : vector<1024xi32> to vector<1024x1xi32>
      %mul3A_68 = arith.constant 1024 : i32
      %mul3A_69 = arith.muli %arg1, %mul3A_68 : i32
      %get3A_70 = arith.constant 1 : index
      %get3A_71 = arith.index_cast %mul3A_69 : i32 to index
      %get3A_72 = vector.load %arg8[%get3A_70, %get3A_71] : memref<8x2048xi32, #tpu.memory_space<vmem>>, vector<1x1024xi32>
      %get3A_73 = vector.shape_cast %get3A_72 : vector<1x1024xi32> to vector<1024xi32>
      %broadcast_in_dim3A_74 = vector.shape_cast %get3A_73 : vector<1024xi32> to vector<1024x1xi32>
      %eq3A_75 = vector.broadcast %broadcast_in_dim3A_67 : vector<1024x1xi32> to vector<1024x128xi32>
      %eq3A_76 = arith.cmpi eq, %iota3A, %eq3A_75 : vector<1024x128xi32>
      %convert_element_type3A_77 = arith.extui %eq3A_76 : vector<1024x128xi1> to vector<1024x128xi32>
      %eq3A_78 = vector.broadcast %broadcast_in_dim3A_74 : vector<1024x1xi32> to vector<1024x128xi32>
      %eq3A_79 = arith.cmpi eq, %iota3A, %eq3A_78 : vector<1024x128xi32>
      %convert_element_type3A_80 = arith.extui %eq3A_79 : vector<1024x128xi1> to vector<1024x128xi32>
      %add3A_81 = arith.addi %convert_element_type3A_77, %convert_element_type3A_80 : vector<1024x128xi32>
      %broadcast_in_dim3A_82 = arith.constant 0 : i32
      %broadcast_in_dim3A_83 = vector.broadcast %broadcast_in_dim3A_82 : i32 to vector<1x128xi32>
      %slice3A_84 = vector.extract_strided_slice %add3A_81 {offsets = [0, 0], sizes = [1023, 128], strides = [1, 1]} : vector<1024x128xi32> to vector<1023x128xi32>
      %concatenate3A_85 = tpu.concatenate %broadcast_in_dim3A_83, %slice3A_84 in 0 : vector<1x128xi32>, vector<1023x128xi32> -> vector<1024x128xi32>
      %add3A_86 = arith.addi %add3A_81, %concatenate3A_85 : vector<1024x128xi32>
      %broadcast_in_dim3A_87 = arith.constant 0 : i32
      %broadcast_in_dim3A_88 = vector.broadcast %broadcast_in_dim3A_87 : i32 to vector<2x128xi32>
      %slice3A_89 = vector.extract_strided_slice %add3A_86 {offsets = [0, 0], sizes = [1022, 128], strides = [1, 1]} : vector<1024x128xi32> to vector<1022x128xi32>
      %concatenate3A_90 = tpu.concatenate %broadcast_in_dim3A_88, %slice3A_89 in 0 : vector<2x128xi32>, vector<1022x128xi32> -> vector<1024x128xi32>
      %add3A_91 = arith.addi %add3A_86, %concatenate3A_90 : vector<1024x128xi32>
      %broadcast_in_dim3A_92 = arith.constant 0 : i32
      %broadcast_in_dim3A_93 = vector.broadcast %broadcast_in_dim3A_92 : i32 to vector<4x128xi32>
      %slice3A_94 = vector.extract_strided_slice %add3A_91 {offsets = [0, 0], sizes = [1020, 128], strides = [1, 1]} : vector<1024x128xi32> to vector<1020x128xi32>
      %concatenate3A_95 = tpu.concatenate %broadcast_in_dim3A_93, %slice3A_94 in 0 : vector<4x128xi32>, vector<1020x128xi32> -> vector<1024x128xi32>
      %add3A_96 = arith.addi %add3A_91, %concatenate3A_95 : vector<1024x128xi32>
      %broadcast_in_dim3A_97 = arith.constant 0 : i32
      %broadcast_in_dim3A_98 = vector.broadcast %broadcast_in_dim3A_97 : i32 to vector<8x128xi32>
      %slice3A_99 = vector.extract_strided_slice %add3A_96 {offsets = [0, 0], sizes = [1016, 128], strides = [1, 1]} : vector<1024x128xi32> to vector<1016x128xi32>
      %concatenate3A_100 = tpu.concatenate %broadcast_in_dim3A_98, %slice3A_99 in 0 : vector<8x128xi32>, vector<1016x128xi32> -> vector<1024x128xi32>
      %add3A_101 = arith.addi %add3A_96, %concatenate3A_100 : vector<1024x128xi32>
      %broadcast_in_dim3A_102 = arith.constant 0 : i32
      %broadcast_in_dim3A_103 = vector.broadcast %broadcast_in_dim3A_102 : i32 to vector<16x128xi32>
      %slice3A_104 = vector.extract_strided_slice %add3A_101 {offsets = [0, 0], sizes = [1008, 128], strides = [1, 1]} : vector<1024x128xi32> to vector<1008x128xi32>
      %concatenate3A_105 = tpu.concatenate %broadcast_in_dim3A_103, %slice3A_104 in 0 : vector<16x128xi32>, vector<1008x128xi32> -> vector<1024x128xi32>
      %add3A_106 = arith.addi %add3A_101, %concatenate3A_105 : vector<1024x128xi32>
      %broadcast_in_dim3A_107 = arith.constant 0 : i32
      %broadcast_in_dim3A_108 = vector.broadcast %broadcast_in_dim3A_107 : i32 to vector<32x128xi32>
      %slice3A_109 = vector.extract_strided_slice %add3A_106 {offsets = [0, 0], sizes = [992, 128], strides = [1, 1]} : vector<1024x128xi32> to vector<992x128xi32>
      %concatenate3A_110 = tpu.concatenate %broadcast_in_dim3A_108, %slice3A_109 in 0 : vector<32x128xi32>, vector<992x128xi32> -> vector<1024x128xi32>
      %add3A_111 = arith.addi %add3A_106, %concatenate3A_110 : vector<1024x128xi32>
      %broadcast_in_dim3A_112 = arith.constant 0 : i32
      %broadcast_in_dim3A_113 = vector.broadcast %broadcast_in_dim3A_112 : i32 to vector<64x128xi32>
      %slice3A_114 = vector.extract_strided_slice %add3A_111 {offsets = [0, 0], sizes = [960, 128], strides = [1, 1]} : vector<1024x128xi32> to vector<960x128xi32>
      %concatenate3A_115 = tpu.concatenate %broadcast_in_dim3A_113, %slice3A_114 in 0 : vector<64x128xi32>, vector<960x128xi32> -> vector<1024x128xi32>
      %add3A_116 = arith.addi %add3A_111, %concatenate3A_115 : vector<1024x128xi32>
      %broadcast_in_dim3A_117 = arith.constant 0 : i32
      %broadcast_in_dim3A_118 = vector.broadcast %broadcast_in_dim3A_117 : i32 to vector<128x128xi32>
      %slice3A_119 = vector.extract_strided_slice %add3A_116 {offsets = [0, 0], sizes = [896, 128], strides = [1, 1]} : vector<1024x128xi32> to vector<896x128xi32>
      %concatenate3A_120 = tpu.concatenate %broadcast_in_dim3A_118, %slice3A_119 in 0 : vector<128x128xi32>, vector<896x128xi32> -> vector<1024x128xi32>
      %add3A_121 = arith.addi %add3A_116, %concatenate3A_120 : vector<1024x128xi32>
      %broadcast_in_dim3A_122 = arith.constant 0 : i32
      %broadcast_in_dim3A_123 = vector.broadcast %broadcast_in_dim3A_122 : i32 to vector<256x128xi32>
      %slice3A_124 = vector.extract_strided_slice %add3A_121 {offsets = [0, 0], sizes = [768, 128], strides = [1, 1]} : vector<1024x128xi32> to vector<768x128xi32>
      %concatenate3A_125 = tpu.concatenate %broadcast_in_dim3A_123, %slice3A_124 in 0 : vector<256x128xi32>, vector<768x128xi32> -> vector<1024x128xi32>
      %add3A_126 = arith.addi %add3A_121, %concatenate3A_125 : vector<1024x128xi32>
      %broadcast_in_dim3A_127 = arith.constant 0 : i32
      %broadcast_in_dim3A_128 = vector.broadcast %broadcast_in_dim3A_127 : i32 to vector<512x128xi32>
      %slice3A_129 = vector.extract_strided_slice %add3A_126 {offsets = [0, 0], sizes = [512, 128], strides = [1, 1]} : vector<1024x128xi32> to vector<512x128xi32>
      %concatenate3A_130 = tpu.concatenate %broadcast_in_dim3A_128, %slice3A_129 in 0 : vector<512x128xi32>, vector<512x128xi32> -> vector<1024x128xi32>
      %add3A_131 = arith.addi %add3A_126, %concatenate3A_130 : vector<1024x128xi32>
      %sub3A_132 = arith.subi %add3A_131, %add3A_81 : vector<1024x128xi32>
      %get3A_133 = arith.constant 0 : index
      %get3A_134 = arith.constant 0 : index
      %get3A_135 = vector.load %arg10[%get3A_133, %get3A_134] : memref<1x128xi32, #tpu.memory_space<vmem>>, vector<1x128xi32>
      %add3A_136 = arith.addi %sub3A_55, %get3A_135 : vector<1x128xi32>
      %add3A_137 = vector.broadcast %add3A_136 : vector<1x128xi32> to vector<1024x128xi32>
      %add3A_138 = arith.addi %add3A_137, %sub3A_132 : vector<1024x128xi32>
      %eq3A_139 = vector.broadcast %broadcast_in_dim3A_67 : vector<1024x1xi32> to vector<1024x128xi32>
      %eq3A_140 = arith.cmpi eq, %iota3A, %eq3A_139 : vector<1024x128xi32>
      %jit3A_141 = arith.constant 0 : i32
      %broadcast_in_dim3A_142 = vector.broadcast %jit3A_141 : i32 to vector<1024x128xi32>
      %select_n3A_143 = arith.select %eq3A_140, %add3A_138, %broadcast_in_dim3A_142 : vector<1024x128xi1>, vector<1024x128xi32>
      %reduce_sum3A = arith.constant dense<0> : vector<1024xi32>
      %reduce_sum3A_144 = vector.multi_reduction <add>, %select_n3A_143, %reduce_sum3A [1] : vector<1024x128xi32> to vector<1024xi32>
      %eq3A_145 = vector.broadcast %broadcast_in_dim3A_74 : vector<1024x1xi32> to vector<1024x128xi32>
      %eq3A_146 = arith.cmpi eq, %iota3A, %eq3A_145 : vector<1024x128xi32>
      %jit3A_147 = arith.constant 0 : i32
      %broadcast_in_dim3A_148 = vector.broadcast %jit3A_147 : i32 to vector<1024x128xi32>
      %select_n3A_149 = arith.select %eq3A_146, %add3A_138, %broadcast_in_dim3A_148 : vector<1024x128xi1>, vector<1024x128xi32>
      %reduce_sum3A_150 = arith.constant dense<0> : vector<1024xi32>
      %reduce_sum3A_151 = vector.multi_reduction <add>, %select_n3A_149, %reduce_sum3A_150 [1] : vector<1024x128xi32> to vector<1024xi32>
      %get3A_152 = arith.constant 0 : index
      %get3A_153 = arith.constant 0 : index
      %get3A_154 = vector.load %arg10[%get3A_152, %get3A_153] : memref<1x128xi32, #tpu.memory_space<vmem>>, vector<1x128xi32>
      %reduce_sum3A_155 = arith.constant dense<0> : vector<128xi32>
      %reduce_sum3A_156 = vector.multi_reduction <add>, %add3A_81, %reduce_sum3A_155 [0] : vector<1024x128xi32> to vector<128xi32>
      %broadcast_in_dim3A_157 = vector.shape_cast %reduce_sum3A_156 : vector<128xi32> to vector<1x128xi32>
      %add3A_158 = arith.addi %get3A_154, %broadcast_in_dim3A_157 : vector<1x128xi32>
      %swap3A = arith.constant 0 : index
      %swap3A_159 = arith.constant 0 : index
      %swap3A_160 = vector.load %arg10[%swap3A, %swap3A_159] : memref<1x128xi32, #tpu.memory_space<vmem>>, vector<1x128xi32>
      tpu.vector_store %arg10[%swap3A, %swap3A_159], %add3A_158 {strides = array<i32>} : memref<1x128xi32, #tpu.memory_space<vmem>>, vector<1x128xi32>,
      %broadcast_in_dim3A_161 = vector.shape_cast %reduce_sum3A_144 : vector<1024xi32> to vector<1x1024xi32>
      %broadcast_in_dim3A_162 = vector.shape_cast %broadcast_in_dim3A_161 : vector<1x1024xi32> to vector<1x1024xi32>
      %broadcast_in_dim3A_163 = vector.broadcast %broadcast_in_dim3A_162 : vector<1x1024xi32> to vector<8x1024xi32>
      %broadcast_in_dim3A_164 = vector.shape_cast %reduce_sum3A_151 : vector<1024xi32> to vector<1x1024xi32>
      %broadcast_in_dim3A_165 = vector.shape_cast %broadcast_in_dim3A_164 : vector<1x1024xi32> to vector<1x1024xi32>
      %broadcast_in_dim3A_166 = vector.broadcast %broadcast_in_dim3A_165 : vector<1x1024xi32> to vector<8x1024xi32>
      %eq3A_167 = arith.constant 0 : i32
      %eq3A_168 = vector.broadcast %eq3A_167 : i32 to vector<8x1024xi32>
      %eq3A_169 = arith.cmpi eq, %iota3A_1, %eq3A_168 : vector<8x1024xi32>
      %eq3A_170 = arith.constant 1 : i32
      %eq3A_171 = vector.broadcast %eq3A_170 : i32 to vector<8x1024xi32>
      %eq3A_172 = arith.cmpi eq, %iota3A_1, %eq3A_171 : vector<8x1024xi32>
      %jit3A_173 = arith.constant 0 : i32
      %broadcast_in_dim3A_174 = vector.broadcast %jit3A_173 : i32 to vector<8x1024xi32>
      %select_n3A_175 = arith.select %eq3A_172, %broadcast_in_dim3A_166, %broadcast_in_dim3A_174 : vector<8x1024xi1>, vector<8x1024xi32>
      %select_n3A_176 = arith.select %eq3A_169, %broadcast_in_dim3A_163, %select_n3A_175 : vector<8x1024xi1>, vector<8x1024xi32>
      %swap3A_177 = arith.constant 0 : index
      %swap3A_178 = arith.constant 0 : index
      %swap3A_179 = vector.load %arg5[%swap3A_177, %swap3A_178] : memref<8x1024xi32, #tpu.memory_space<vmem>>, vector<8x1024xi32>
      tpu.vector_store %arg5[%swap3A_177, %swap3A_178], %select_n3A_176 {strides = array<i32>} : memref<8x1024xi32, #tpu.memory_space<vmem>>, vector<8x1024xi32>,
    } else {
    }
    return
  }
  func.func @transform_0(%arg0: i32, %arg1: i32) -> (i32, i32) {
    %c0_i32 = arith.constant 0 : i32
    %c0_i32_0 = arith.constant 0 : i32
    return %arg1, %c0_i32 : i32, i32
  }
  func.func @transform_1(%arg0: i32, %arg1: i32) -> (i32, i32) {
    %c0_i32 = arith.constant 0 : i32
    %c0_i32_0 = arith.constant 0 : i32
    %c0_i32_1 = arith.constant 0 : i32
    return %c0_i32, %c0_i32_0 : i32, i32
  }
  func.func @transform_2(%arg0: i32, %arg1: i32) -> (i32, i32, i32) {
    %eq3A = arith.constant 0 : i32
    %eq3A_0 = arith.cmpi eq, %arg0, %eq3A : i32
    %jit3A = arith.constant 1 : i32
    %select_n3A = arith.select %eq3A_0, %arg1, %jit3A : i32
    %c0_i32 = arith.constant 0 : i32
    %c0_i32_1 = arith.constant 0 : i32
    %c0_i32_2 = arith.constant 0 : i32
    return %c0_i32, %select_n3A, %c0_i32_1 : i32, i32, i32
  }
  func.func @transform_3(%arg0: i32, %arg1: i32) -> (i32, i32) {
    %eq3A = arith.constant 1 : i32
    %eq3A_0 = arith.cmpi eq, %arg0, %eq3A : i32
    %jit3A = arith.constant 0 : i32
    %select_n3A = arith.select %eq3A_0, %arg1, %jit3A : i32
    %c0_i32 = arith.constant 0 : i32
    %c0_i32_1 = arith.constant 0 : i32
    return %c0_i32, %select_n3A : i32, i32
  }
  func.func @transform_4(%arg0: i32, %arg1: i32) -> (i32, i32, i32) {
    %c0_i32 = arith.constant 0 : i32
    %c0_i32_0 = arith.constant 0 : i32
    %c0_i32_1 = arith.constant 0 : i32
    %c0_i32_2 = arith.constant 0 : i32
    return %c0_i32, %c0_i32_0, %c0_i32_1 : i32, i32, i32
  }
  func.func @transform_5(%arg0: i32, %arg1: i32) -> (i32, i32) {
    %eq3A = arith.constant 0 : i32
    %eq3A_0 = arith.cmpi eq, %arg0, %eq3A : i32
    %jit3A = arith.constant 1 : i32
    %select_n3A = arith.select %eq3A_0, %arg1, %jit3A : i32
    %c0_i32 = arith.constant 0 : i32
    %c0_i32_1 = arith.constant 0 : i32
    return %select_n3A, %c0_i32 : i32, i32
  }
}

module attributes {stable_mosaic.version = 14 : i64} {
  func.func @_shared_body(%arg0: i32, %arg1: memref<1024x768xf32, #tpu.memory_space<vmem>>, %arg2: memref<768x1024xf32, #tpu.memory_space<vmem>>, %arg3: memref<768x1024xf32, #tpu.memory_space<vmem>>, %arg4: memref<1024x768xf32, #tpu.memory_space<vmem>>, %arg5: memref<1024x384xi32, #tpu.memory_space<vmem>>) attributes {dimension_semantics = [#tpu.dimension_semantics<arbitrary>], iteration_bounds = array<i64: 1>, scalar_prefetch = 0 : i64, scratch_operands = 0 : i64, tpu.core_type = #tpu.core_type<tc>, window_params = [{transform_indices = @transform_0, window_bounds = array<i64: 1024, 768>}, {pipeline_mode = #tpu.pipeline_mode<synchronous>, transform_indices = @transform_1, window_bounds = array<i64: 768, 1024>}, {pipeline_mode = #tpu.pipeline_mode<synchronous>, transform_indices = @transform_2, window_bounds = array<i64: 768, 1024>}, {pipeline_mode = #tpu.pipeline_mode<synchronous>, transform_indices = @transform_3, window_bounds = array<i64: 1024, 768>}, {pipeline_mode = #tpu.pipeline_mode<synchronous>, transform_indices = @transform_4, window_bounds = array<i64: 1024, 384>}]} {
    %get3A = arith.constant 0 : index
    %get3A_0 = arith.constant 0 : index
    %get3A_1 = vector.load %arg1[%get3A, %get3A_0] : memref<1024x768xf32, #tpu.memory_space<vmem>>, vector<1024x768xf32>
    %get3A_2 = arith.constant 0 : index
    %get3A_3 = arith.constant 0 : index
    %get3A_4 = vector.load %arg2[%get3A_2, %get3A_3] : memref<768x1024xf32, #tpu.memory_space<vmem>>, vector<768x1024xf32>
    %dot_general3A = arith.constant dense<0.000000e+00> : vector<1024x1024xf32>
    %dot_general3A_5 = tpu.matmul %get3A_1, %get3A_4, %dot_general3A {dimension_numbers = #tpu.dot_dimension_numbers<[1], [0], [0], [1], [0, 0, 1, 1], [], []>, transpose_lhs_hint = false} : vector<1024x768xf32>, vector<768x1024xf32>, vector<1024x1024xf32> -> vector<1024x1024xf32>
    %logistic3A = arith.negf %dot_general3A_5 : vector<1024x1024xf32>
    %logistic3A_6 = math.exp %logistic3A : vector<1024x1024xf32>
    %logistic3A_7 = arith.constant 1.000000e+00 : f32
    %logistic3A_8 = vector.broadcast %logistic3A_7 : f32 to vector<1024x1024xf32>
    %logistic3A_9 = arith.addf %logistic3A_8, %logistic3A_6 : vector<1024x1024xf32>
    %logistic3A_10 = arith.divf %logistic3A_8, %logistic3A_9 : vector<1024x1024xf32>
    %mul3A = arith.mulf %dot_general3A_5, %logistic3A_10 : vector<1024x1024xf32>
    %get3A_11 = arith.constant 0 : index
    %get3A_12 = arith.constant 0 : index
    %get3A_13 = vector.load %arg3[%get3A_11, %get3A_12] : memref<768x1024xf32, #tpu.memory_space<vmem>>, vector<768x1024xf32>
    %dot_general3A_14 = arith.constant dense<0.000000e+00> : vector<1024x1024xf32>
    %dot_general3A_15 = tpu.matmul %get3A_1, %get3A_13, %dot_general3A_14 {dimension_numbers = #tpu.dot_dimension_numbers<[1], [0], [0], [1], [0, 0, 1, 1], [], []>, transpose_lhs_hint = false} : vector<1024x768xf32>, vector<768x1024xf32>, vector<1024x1024xf32> -> vector<1024x1024xf32>
    %mul3A_16 = arith.mulf %mul3A, %dot_general3A_15 : vector<1024x1024xf32>
    %get3A_17 = arith.constant 0 : index
    %get3A_18 = arith.constant 0 : index
    %get3A_19 = vector.load %arg4[%get3A_17, %get3A_18] : memref<1024x768xf32, #tpu.memory_space<vmem>>, vector<1024x768xf32>
    %dot_general3A_20 = arith.constant dense<0.000000e+00> : vector<1024x768xf32>
    %dot_general3A_21 = tpu.matmul %mul3A_16, %get3A_19, %dot_general3A_20 {dimension_numbers = #tpu.dot_dimension_numbers<[1], [0], [0], [1], [0, 0, 1, 1], [], []>, transpose_lhs_hint = false} : vector<1024x1024xf32>, vector<1024x768xf32>, vector<1024x768xf32> -> vector<1024x768xf32>
    %bitcast_convert_type3A = tpu.bitcast %dot_general3A_21 : vector<1024x768xf32> -> vector<1024x768xi32>
    %slice3A = vector.extract_strided_slice %bitcast_convert_type3A {offsets = [0, 384], sizes = [1024, 384], strides = [1, 1]} : vector<1024x768xi32> to vector<1024x384xi32>
    %add3A = arith.constant 32767 : i32
    %add3A_22 = vector.broadcast %add3A : i32 to vector<1024x384xi32>
    %add3A_23 = arith.addi %slice3A, %add3A_22 : vector<1024x384xi32>
    %shift_right_logical3A = arith.constant 16 : i32
    %shift_right_logical3A_24 = vector.broadcast %shift_right_logical3A : i32 to vector<1024x384xi32>
    %shift_right_logical3A_25 = arith.shrui %slice3A, %shift_right_logical3A_24 : vector<1024x384xi32>
    %and3A = arith.constant 1 : i32
    %and3A_26 = vector.broadcast %and3A : i32 to vector<1024x384xi32>
    %and3A_27 = arith.andi %shift_right_logical3A_25, %and3A_26 : vector<1024x384xi32>
    %add3A_28 = arith.addi %add3A_23, %and3A_27 : vector<1024x384xi32>
    %and3A_29 = arith.constant -65536 : i32
    %and3A_30 = vector.broadcast %and3A_29 : i32 to vector<1024x384xi32>
    %and3A_31 = arith.andi %add3A_28, %and3A_30 : vector<1024x384xi32>
    %slice3A_32 = vector.extract_strided_slice %bitcast_convert_type3A {offsets = [0, 0], sizes = [1024, 384], strides = [1, 1]} : vector<1024x768xi32> to vector<1024x384xi32>
    %add3A_33 = arith.constant 32767 : i32
    %add3A_34 = vector.broadcast %add3A_33 : i32 to vector<1024x384xi32>
    %add3A_35 = arith.addi %slice3A_32, %add3A_34 : vector<1024x384xi32>
    %shift_right_logical3A_36 = arith.constant 16 : i32
    %shift_right_logical3A_37 = vector.broadcast %shift_right_logical3A_36 : i32 to vector<1024x384xi32>
    %shift_right_logical3A_38 = arith.shrui %slice3A_32, %shift_right_logical3A_37 : vector<1024x384xi32>
    %and3A_39 = arith.constant 1 : i32
    %and3A_40 = vector.broadcast %and3A_39 : i32 to vector<1024x384xi32>
    %and3A_41 = arith.andi %shift_right_logical3A_38, %and3A_40 : vector<1024x384xi32>
    %add3A_42 = arith.addi %add3A_35, %and3A_41 : vector<1024x384xi32>
    %and3A_43 = arith.constant -65536 : i32
    %and3A_44 = vector.broadcast %and3A_43 : i32 to vector<1024x384xi32>
    %and3A_45 = arith.andi %add3A_42, %and3A_44 : vector<1024x384xi32>
    %shift_right_logical3A_46 = arith.constant 16 : i32
    %shift_right_logical3A_47 = vector.broadcast %shift_right_logical3A_46 : i32 to vector<1024x384xi32>
    %shift_right_logical3A_48 = arith.shrui %and3A_45, %shift_right_logical3A_47 : vector<1024x384xi32>
    %or3A = arith.ori %and3A_31, %shift_right_logical3A_48 : vector<1024x384xi32>
    %bitcast_convert_type3A_49 = tpu.bitcast %or3A : vector<1024x384xi32> -> vector<1024x384xi32>
    %swap3A = arith.constant 0 : index
    %swap3A_50 = arith.constant 0 : index
    %swap3A_51 = vector.load %arg5[%swap3A, %swap3A_50] : memref<1024x384xi32, #tpu.memory_space<vmem>>, vector<1024x384xi32>
    tpu.vector_store %arg5[%swap3A, %swap3A_50], %bitcast_convert_type3A_49 {strides = array<i32>} : memref<1024x384xi32, #tpu.memory_space<vmem>>, vector<1024x384xi32>,
    return
  }
  func.func @transform_0(%arg0: i32) -> (i32, i32) {
    %c0_i32 = arith.constant 0 : i32
    %c0_i32_0 = arith.constant 0 : i32
    %c0_i32_1 = arith.constant 0 : i32
    return %c0_i32, %c0_i32_0 : i32, i32
  }
  func.func @transform_1(%arg0: i32) -> (i32, i32) {
    %c0_i32 = arith.constant 0 : i32
    %c0_i32_0 = arith.constant 0 : i32
    %c0_i32_1 = arith.constant 0 : i32
    return %c0_i32, %c0_i32_0 : i32, i32
  }
  func.func @transform_2(%arg0: i32) -> (i32, i32) {
    %c0_i32 = arith.constant 0 : i32
    %c0_i32_0 = arith.constant 0 : i32
    %c0_i32_1 = arith.constant 0 : i32
    return %c0_i32, %c0_i32_0 : i32, i32
  }
  func.func @transform_3(%arg0: i32) -> (i32, i32) {
    %c0_i32 = arith.constant 0 : i32
    %c0_i32_0 = arith.constant 0 : i32
    %c0_i32_1 = arith.constant 0 : i32
    return %c0_i32, %c0_i32_0 : i32, i32
  }
  func.func @transform_4(%arg0: i32) -> (i32, i32) {
    %c0_i32 = arith.constant 0 : i32
    %c0_i32_0 = arith.constant 0 : i32
    %c0_i32_1 = arith.constant 0 : i32
    return %c0_i32, %c0_i32_0 : i32, i32
  }
}

module attributes {stable_mosaic.version = 14 : i64} {
  func.func @_shared_body(%arg0: i32, %arg1: memref<1024x768xf32, #tpu.memory_space<vmem>>, %arg2: memref<768x1024xf32, #tpu.memory_space<vmem>>, %arg3: memref<768x1024xf32, #tpu.memory_space<vmem>>, %arg4: memref<1024x768xf32, #tpu.memory_space<vmem>>, %arg5: memref<1024x384xi32, #tpu.memory_space<vmem>>) attributes {dimension_semantics = [#tpu.dimension_semantics<arbitrary>], iteration_bounds = array<i64: 1>, scalar_prefetch = 0 : i64, scratch_operands = 0 : i64, tpu.core_type = #tpu.core_type<tc>, window_params = [{transform_indices = @transform_0, window_bounds = array<i64: 1024, 768>}, {pipeline_mode = #tpu.pipeline_mode<synchronous>, transform_indices = @transform_1, window_bounds = array<i64: 768, 1024>}, {pipeline_mode = #tpu.pipeline_mode<synchronous>, transform_indices = @transform_2, window_bounds = array<i64: 768, 1024>}, {pipeline_mode = #tpu.pipeline_mode<synchronous>, transform_indices = @transform_3, window_bounds = array<i64: 1024, 768>}, {pipeline_mode = #tpu.pipeline_mode<synchronous>, transform_indices = @transform_4, window_bounds = array<i64: 1024, 384>}]} {
    %get3A = arith.constant 0 : index
    %get3A_0 = arith.constant 0 : index
    %get3A_1 = vector.load %arg1[%get3A, %get3A_0] : memref<1024x768xf32, #tpu.memory_space<vmem>>, vector<1024x768xf32>
    %get3A_2 = arith.constant 0 : index
    %get3A_3 = arith.constant 0 : index
    %get3A_4 = vector.load %arg2[%get3A_2, %get3A_3] : memref<768x1024xf32, #tpu.memory_space<vmem>>, vector<768x1024xf32>
    %dot_general3A = arith.constant dense<0.000000e+00> : vector<1024x1024xf32>
    %dot_general3A_5 = tpu.matmul %get3A_1, %get3A_4, %dot_general3A {dimension_numbers = #tpu.dot_dimension_numbers<[1], [0], [0], [1], [0, 0, 1, 1], [], []>, transpose_lhs_hint = false} : vector<1024x768xf32>, vector<768x1024xf32>, vector<1024x1024xf32> -> vector<1024x1024xf32>
    %logistic3A = arith.negf %dot_general3A_5 : vector<1024x1024xf32>
    %logistic3A_6 = math.exp %logistic3A : vector<1024x1024xf32>
    %logistic3A_7 = arith.constant 1.000000e+00 : f32
    %logistic3A_8 = vector.broadcast %logistic3A_7 : f32 to vector<1024x1024xf32>
    %logistic3A_9 = arith.addf %logistic3A_8, %logistic3A_6 : vector<1024x1024xf32>
    %logistic3A_10 = arith.divf %logistic3A_8, %logistic3A_9 : vector<1024x1024xf32>
    %mul3A = arith.mulf %dot_general3A_5, %logistic3A_10 : vector<1024x1024xf32>
    %get3A_11 = arith.constant 0 : index
    %get3A_12 = arith.constant 0 : index
    %get3A_13 = vector.load %arg3[%get3A_11, %get3A_12] : memref<768x1024xf32, #tpu.memory_space<vmem>>, vector<768x1024xf32>
    %dot_general3A_14 = arith.constant dense<0.000000e+00> : vector<1024x1024xf32>
    %dot_general3A_15 = tpu.matmul %get3A_1, %get3A_13, %dot_general3A_14 {dimension_numbers = #tpu.dot_dimension_numbers<[1], [0], [0], [1], [0, 0, 1, 1], [], []>, transpose_lhs_hint = false} : vector<1024x768xf32>, vector<768x1024xf32>, vector<1024x1024xf32> -> vector<1024x1024xf32>
    %mul3A_16 = arith.mulf %mul3A, %dot_general3A_15 : vector<1024x1024xf32>
    %get3A_17 = arith.constant 0 : index
    %get3A_18 = arith.constant 0 : index
    %get3A_19 = vector.load %arg4[%get3A_17, %get3A_18] : memref<1024x768xf32, #tpu.memory_space<vmem>>, vector<1024x768xf32>
    %dot_general3A_20 = arith.constant dense<0.000000e+00> : vector<1024x768xf32>
    %dot_general3A_21 = tpu.matmul %mul3A_16, %get3A_19, %dot_general3A_20 {dimension_numbers = #tpu.dot_dimension_numbers<[1], [0], [0], [1], [0, 0, 1, 1], [], []>, transpose_lhs_hint = false} : vector<1024x1024xf32>, vector<1024x768xf32>, vector<1024x768xf32> -> vector<1024x768xf32>
    %bitcast_convert_type3A = tpu.bitcast %dot_general3A_21 : vector<1024x768xf32> -> vector<1024x768xi32>
    %slice3A = vector.extract_strided_slice %bitcast_convert_type3A {offsets = [0, 384], sizes = [1024, 384], strides = [1, 1]} : vector<1024x768xi32> to vector<1024x384xi32>
    %add3A = arith.constant 32767 : i32
    %add3A_22 = vector.broadcast %add3A : i32 to vector<1024x384xi32>
    %add3A_23 = arith.addi %slice3A, %add3A_22 : vector<1024x384xi32>
    %shift_right_logical3A = arith.constant 16 : i32
    %shift_right_logical3A_24 = vector.broadcast %shift_right_logical3A : i32 to vector<1024x384xi32>
    %shift_right_logical3A_25 = arith.shrui %slice3A, %shift_right_logical3A_24 : vector<1024x384xi32>
    %and3A = arith.constant 1 : i32
    %and3A_26 = vector.broadcast %and3A : i32 to vector<1024x384xi32>
    %and3A_27 = arith.andi %shift_right_logical3A_25, %and3A_26 : vector<1024x384xi32>
    %add3A_28 = arith.addi %add3A_23, %and3A_27 : vector<1024x384xi32>
    %and3A_29 = arith.constant -65536 : i32
    %and3A_30 = vector.broadcast %and3A_29 : i32 to vector<1024x384xi32>
    %and3A_31 = arith.andi %add3A_28, %and3A_30 : vector<1024x384xi32>
    %slice3A_32 = vector.extract_strided_slice %bitcast_convert_type3A {offsets = [0, 0], sizes = [1024, 384], strides = [1, 1]} : vector<1024x768xi32> to vector<1024x384xi32>
    %add3A_33 = arith.constant 32767 : i32
    %add3A_34 = vector.broadcast %add3A_33 : i32 to vector<1024x384xi32>
    %add3A_35 = arith.addi %slice3A_32, %add3A_34 : vector<1024x384xi32>
    %shift_right_logical3A_36 = arith.constant 16 : i32
    %shift_right_logical3A_37 = vector.broadcast %shift_right_logical3A_36 : i32 to vector<1024x384xi32>
    %shift_right_logical3A_38 = arith.shrui %slice3A_32, %shift_right_logical3A_37 : vector<1024x384xi32>
    %and3A_39 = arith.constant 1 : i32
    %and3A_40 = vector.broadcast %and3A_39 : i32 to vector<1024x384xi32>
    %and3A_41 = arith.andi %shift_right_logical3A_38, %and3A_40 : vector<1024x384xi32>
    %add3A_42 = arith.addi %add3A_35, %and3A_41 : vector<1024x384xi32>
    %and3A_43 = arith.constant -65536 : i32
    %and3A_44 = vector.broadcast %and3A_43 : i32 to vector<1024x384xi32>
    %and3A_45 = arith.andi %add3A_42, %and3A_44 : vector<1024x384xi32>
    %shift_right_logical3A_46 = arith.constant 16 : i32
    %shift_right_logical3A_47 = vector.broadcast %shift_right_logical3A_46 : i32 to vector<1024x384xi32>
    %shift_right_logical3A_48 = arith.shrui %and3A_45, %shift_right_logical3A_47 : vector<1024x384xi32>
    %or3A = arith.ori %and3A_31, %shift_right_logical3A_48 : vector<1024x384xi32>
    %bitcast_convert_type3A_49 = tpu.bitcast %or3A : vector<1024x384xi32> -> vector<1024x384xi32>
    %swap3A = arith.constant 0 : index
    %swap3A_50 = arith.constant 0 : index
    %swap3A_51 = vector.load %arg5[%swap3A, %swap3A_50] : memref<1024x384xi32, #tpu.memory_space<vmem>>, vector<1024x384xi32>
    tpu.vector_store %arg5[%swap3A, %swap3A_50], %bitcast_convert_type3A_49 {strides = array<i32>} : memref<1024x384xi32, #tpu.memory_space<vmem>>, vector<1024x384xi32>,
    return
  }
  func.func @transform_0(%arg0: i32) -> (i32, i32) {
    %c1_i32 = arith.constant 1 : i32
    %c0_i32 = arith.constant 0 : i32
    %c0_i32_0 = arith.constant 0 : i32
    return %c1_i32, %c0_i32 : i32, i32
  }
  func.func @transform_1(%arg0: i32) -> (i32, i32) {
    %c0_i32 = arith.constant 0 : i32
    %c0_i32_0 = arith.constant 0 : i32
    %c0_i32_1 = arith.constant 0 : i32
    return %c0_i32, %c0_i32_0 : i32, i32
  }
  func.func @transform_2(%arg0: i32) -> (i32, i32) {
    %c0_i32 = arith.constant 0 : i32
    %c0_i32_0 = arith.constant 0 : i32
    %c0_i32_1 = arith.constant 0 : i32
    return %c0_i32, %c0_i32_0 : i32, i32
  }
  func.func @transform_3(%arg0: i32) -> (i32, i32) {
    %c0_i32 = arith.constant 0 : i32
    %c0_i32_0 = arith.constant 0 : i32
    %c0_i32_1 = arith.constant 0 : i32
    return %c0_i32, %c0_i32_0 : i32, i32
  }
  func.func @transform_4(%arg0: i32) -> (i32, i32) {
    %c0_i32 = arith.constant 0 : i32
    %c0_i32_0 = arith.constant 0 : i32
    %c0_i32_1 = arith.constant 0 : i32
    return %c0_i32, %c0_i32_0 : i32, i32
  }
}

module attributes {stable_mosaic.version = 14 : i64} {
  func.func @_final_body(%arg0: i32, %arg1: memref<1024x384xi32, #tpu.memory_space<vmem>>, %arg2: memref<1024x384xi32, #tpu.memory_space<vmem>>, %arg3: memref<1024x384xi32, #tpu.memory_space<vmem>>, %arg4: memref<1024x384xi32, #tpu.memory_space<vmem>>, %arg5: memref<2x1024x16xf32, #tpu.memory_space<vmem>>, %arg6: memref<1024x768xf32, #tpu.memory_space<vmem>>) attributes {dimension_semantics = [#tpu.dimension_semantics<arbitrary>], iteration_bounds = array<i64: 2>, scalar_prefetch = 0 : i64, scratch_operands = 0 : i64, tpu.core_type = #tpu.core_type<tc>, window_params = [{pipeline_mode = #tpu.pipeline_mode<synchronous>, transform_indices = @transform_0, window_bounds = array<i64: 1024, 384>}, {pipeline_mode = #tpu.pipeline_mode<synchronous>, transform_indices = @transform_1, window_bounds = array<i64: 1024, 384>}, {transform_indices = @transform_2, window_bounds = array<i64: 1024, 384>}, {transform_indices = @transform_3, window_bounds = array<i64: 1024, 384>}, {transform_indices = @transform_4, window_bounds = array<i64: 2, 1024, 16>}, {transform_indices = @transform_5, window_bounds = array<i64: 1024, 768>}]} {
    %get3A = arith.constant 0 : index
    %get3A_0 = arith.constant 0 : index
    %get3A_1 = arith.constant 0 : index
    %get3A_2 = vector.load %arg5[%get3A, %get3A_0, %get3A_1] : memref<2x1024x16xf32, #tpu.memory_space<vmem>>, vector<1x1024x1xf32>
    %get3A_3 = vector.shape_cast %get3A_2 : vector<1x1024x1xf32> to vector<1024x1xf32>
    %get3A_4 = arith.constant 1 : index
    %get3A_5 = arith.constant 0 : index
    %get3A_6 = arith.constant 0 : index
    %get3A_7 = vector.load %arg5[%get3A_4, %get3A_5, %get3A_6] : memref<2x1024x16xf32, #tpu.memory_space<vmem>>, vector<1x1024x1xf32>
    %get3A_8 = vector.shape_cast %get3A_7 : vector<1x1024x1xf32> to vector<1024x1xf32>
    %get3A_9 = arith.constant 0 : index
    %get3A_10 = arith.constant 0 : index
    %get3A_11 = vector.load %arg3[%get3A_9, %get3A_10] : memref<1024x384xi32, #tpu.memory_space<vmem>>, vector<1024x384xi32>
    %bitcast_convert_type3A = tpu.bitcast %get3A_11 : vector<1024x384xi32> -> vector<1024x384xi32>
    %shift_left3A = arith.constant 16 : i32
    %shift_left3A_12 = vector.broadcast %shift_left3A : i32 to vector<1024x384xi32>
    %shift_left3A_13 = arith.shli %bitcast_convert_type3A, %shift_left3A_12 : vector<1024x384xi32>
    %bitcast_convert_type3A_14 = tpu.bitcast %shift_left3A_13 : vector<1024x384xi32> -> vector<1024x384xf32>
    %and3A = arith.constant -65536 : i32
    %and3A_15 = vector.broadcast %and3A : i32 to vector<1024x384xi32>
    %and3A_16 = arith.andi %bitcast_convert_type3A, %and3A_15 : vector<1024x384xi32>
    %bitcast_convert_type3A_17 = tpu.bitcast %and3A_16 : vector<1024x384xi32> -> vector<1024x384xf32>
    %concatenate3A = tpu.concatenate %bitcast_convert_type3A_14, %bitcast_convert_type3A_17 in 1 : vector<1024x384xf32>, vector<1024x384xf32> -> vector<1024x768xf32>
    %get3A_18 = arith.constant 0 : index
    %get3A_19 = arith.constant 0 : index
    %get3A_20 = vector.load %arg4[%get3A_18, %get3A_19] : memref<1024x384xi32, #tpu.memory_space<vmem>>, vector<1024x384xi32>
    %bitcast_convert_type3A_21 = tpu.bitcast %get3A_20 : vector<1024x384xi32> -> vector<1024x384xi32>
    %shift_left3A_22 = arith.constant 16 : i32
    %shift_left3A_23 = vector.broadcast %shift_left3A_22 : i32 to vector<1024x384xi32>
    %shift_left3A_24 = arith.shli %bitcast_convert_type3A_21, %shift_left3A_23 : vector<1024x384xi32>
    %bitcast_convert_type3A_25 = tpu.bitcast %shift_left3A_24 : vector<1024x384xi32> -> vector<1024x384xf32>
    %and3A_26 = arith.constant -65536 : i32
    %and3A_27 = vector.broadcast %and3A_26 : i32 to vector<1024x384xi32>
    %and3A_28 = arith.andi %bitcast_convert_type3A_21, %and3A_27 : vector<1024x384xi32>
    %bitcast_convert_type3A_29 = tpu.bitcast %and3A_28 : vector<1024x384xi32> -> vector<1024x384xf32>
    %concatenate3A_30 = tpu.concatenate %bitcast_convert_type3A_25, %bitcast_convert_type3A_29 in 1 : vector<1024x384xf32>, vector<1024x384xf32> -> vector<1024x768xf32>
    %eq3A = arith.constant 0 : i32
    %eq3A_31 = arith.cmpi eq, %arg0, %eq3A : i32
    %get3A_32 = arith.constant 0 : index
    %get3A_33 = arith.constant 0 : index
    %get3A_34 = vector.load %arg1[%get3A_32, %get3A_33] : memref<1024x384xi32, #tpu.memory_space<vmem>>, vector<1024x384xi32>
    %bitcast_convert_type3A_35 = tpu.bitcast %get3A_34 : vector<1024x384xi32> -> vector<1024x384xi32>
    %shift_left3A_36 = arith.constant 16 : i32
    %shift_left3A_37 = vector.broadcast %shift_left3A_36 : i32 to vector<1024x384xi32>
    %shift_left3A_38 = arith.shli %bitcast_convert_type3A_35, %shift_left3A_37 : vector<1024x384xi32>
    %bitcast_convert_type3A_39 = tpu.bitcast %shift_left3A_38 : vector<1024x384xi32> -> vector<1024x384xf32>
    %and3A_40 = arith.constant -65536 : i32
    %and3A_41 = vector.broadcast %and3A_40 : i32 to vector<1024x384xi32>
    %and3A_42 = arith.andi %bitcast_convert_type3A_35, %and3A_41 : vector<1024x384xi32>
    %bitcast_convert_type3A_43 = tpu.bitcast %and3A_42 : vector<1024x384xi32> -> vector<1024x384xf32>
    %concatenate3A_44 = tpu.concatenate %bitcast_convert_type3A_39, %bitcast_convert_type3A_43 in 1 : vector<1024x384xf32>, vector<1024x384xf32> -> vector<1024x768xf32>
    %get3A_45 = arith.constant 0 : index
    %get3A_46 = arith.constant 0 : index
    %get3A_47 = vector.load %arg2[%get3A_45, %get3A_46] : memref<1024x384xi32, #tpu.memory_space<vmem>>, vector<1024x384xi32>
    %bitcast_convert_type3A_48 = tpu.bitcast %get3A_47 : vector<1024x384xi32> -> vector<1024x384xi32>
    %shift_left3A_49 = arith.constant 16 : i32
    %shift_left3A_50 = vector.broadcast %shift_left3A_49 : i32 to vector<1024x384xi32>
    %shift_left3A_51 = arith.shli %bitcast_convert_type3A_48, %shift_left3A_50 : vector<1024x384xi32>
    %bitcast_convert_type3A_52 = tpu.bitcast %shift_left3A_51 : vector<1024x384xi32> -> vector<1024x384xf32>
    %and3A_53 = arith.constant -65536 : i32
    %and3A_54 = vector.broadcast %and3A_53 : i32 to vector<1024x384xi32>
    %and3A_55 = arith.andi %bitcast_convert_type3A_48, %and3A_54 : vector<1024x384xi32>
    %bitcast_convert_type3A_56 = tpu.bitcast %and3A_55 : vector<1024x384xi32> -> vector<1024x384xf32>
    %concatenate3A_57 = tpu.concatenate %bitcast_convert_type3A_52, %bitcast_convert_type3A_56 in 1 : vector<1024x384xf32>, vector<1024x384xf32> -> vector<1024x768xf32>
    %select_n3A = arith.select %eq3A_31, %concatenate3A_44, %concatenate3A_57 : vector<1024x768xf32>
    %mul3A = vector.broadcast %get3A_3 : vector<1024x1xf32> to vector<1024x768xf32>
    %mul3A_58 = arith.mulf %mul3A, %concatenate3A : vector<1024x768xf32>
    %add3A = arith.addf %select_n3A, %mul3A_58 : vector<1024x768xf32>
    %mul3A_59 = vector.broadcast %get3A_8 : vector<1024x1xf32> to vector<1024x768xf32>
    %mul3A_60 = arith.mulf %mul3A_59, %concatenate3A_30 : vector<1024x768xf32>
    %add3A_61 = arith.addf %add3A, %mul3A_60 : vector<1024x768xf32>
    %swap3A = arith.constant 0 : index
    %swap3A_62 = arith.constant 0 : index
    %swap3A_63 = vector.load %arg6[%swap3A, %swap3A_62] : memref<1024x768xf32, #tpu.memory_space<vmem>>, vector<1024x768xf32>
    tpu.vector_store %arg6[%swap3A, %swap3A_62], %add3A_61 {strides = array<i32>} : memref<1024x768xf32, #tpu.memory_space<vmem>>, vector<1024x768xf32>,
    return
  }
  func.func @transform_0(%arg0: i32) -> (i32, i32) {
    %c0_i32 = arith.constant 0 : i32
    %c0_i32_0 = arith.constant 0 : i32
    %c0_i32_1 = arith.constant 0 : i32
    return %c0_i32, %c0_i32_0 : i32, i32
  }
  func.func @transform_1(%arg0: i32) -> (i32, i32) {
    %c0_i32 = arith.constant 0 : i32
    %c0_i32_0 = arith.constant 0 : i32
    %c0_i32_1 = arith.constant 0 : i32
    return %c0_i32, %c0_i32_0 : i32, i32
  }
  func.func @transform_2(%arg0: i32) -> (i32, i32) {
    %c0_i32 = arith.constant 0 : i32
    %c0_i32_0 = arith.constant 0 : i32
    return %arg0, %c0_i32 : i32, i32
  }
  func.func @transform_3(%arg0: i32) -> (i32, i32) {
    %c0_i32 = arith.constant 0 : i32
    %c0_i32_0 = arith.constant 0 : i32
    return %arg0, %c0_i32 : i32, i32
  }
  func.func @transform_4(%arg0: i32) -> (i32, i32, i32) {
    %c0_i32 = arith.constant 0 : i32
    %c0_i32_0 = arith.constant 0 : i32
    %c0_i32_1 = arith.constant 0 : i32
    return %c0_i32, %arg0, %c0_i32_0 : i32, i32, i32
  }
  func.func @transform_5(%arg0: i32) -> (i32, i32) {
    %c0_i32 = arith.constant 0 : i32
    %c0_i32_0 = arith.constant 0 : i32
    return %arg0, %c0_i32 : i32, i32
  }
}

</mosaic_0001>

<sc_bundles>
// kernel: kernel.12.cloned.1.call-start
scs
__scs_entry_jumppad:
0x0: {  	(pc) =	sbr.rel $0x88, $3  }
0x1: {  	(tag) =	ssettag $0x0;
	lr =	simm.s32 $0x1  }
0x2: {  	[smem:$0x3F99] =	sst lr;
	_ =	strace $0xD0000000  }
0x3: {  	_ = 	snop  }
0x4: {  	_ = 	snop  }
0x5: {  	_ = 	snop  }
0x6: {  	_ = 	snop  }
0x7: {  	_ = 	snop  }
__scs_overlays_trampoline_lowered:
0x8: {  	[smem:$0x3FA8] =	sst s0  }
0x9: {  	[smem:$0x3FA9] =	sst s1  }
0xa: {  	[smem:$0x3FAA] =	sst s2  }
0xb: {  	[smem:$0x3FAB] =	sst s3  }
0xc: {  	[smem:$0x3FAC] =	sst s4  }
0xd: {  	[smem:$0x3FAD] =	sst s5  }
0xe: {  	[smem:$0x3FAE] =	sst s6  }
0xf: {  	[smem:$0x3FAF] =	sst s7  }
0x10: {  	[smem:$0x3FB0] =	sst s8  }
0x11: {  	[smem:$0x3FB1] =	sst s9;
	s0 =	simm.s32 @!p0 $0x0  }
0x12: {  	s1 =	sld [smem:$0x3F97];
	s0 =	simm.s32 @p0 $0x1  }
0x13: {  	[smem:$0x3FB2] =	sst s0;
	s0 =	simm.s32 @!p1 $0x0  }
0x14: {  	s2 =	sld [smem:$0x3F96];
	s0 =	simm.s32 @p1 $0x1  }
0x15: {  	[smem:$0x3FB3] =	sst s0;
	s0 =	simm.s32 @!p2 $0x0  }
0x16: {  	s3 =	sld [smem:$0x3FDB];
	s0 =	simm.s32 @p2 $0x1  }
0x17: {  	s4 =	simm.s32 $0x1BF5;
	[smem:$0x3FB5] =	sst s0  }
0x18: {  	s0 =	sld [smem:$0x3F98];
	_ =	swait.ge [sflag:s4], $0x0  }
0x19: {  	s7 =	sld [smem:$0x3F99]  }
0x1a: {  	s8 =	sadd.s32 $0xFFFFE003, lr  }
0x1b: {  	s9 =	sadd.s32 $0xFFFFFEF7, lr;
	s5 =	simm.s32 $0xFFFFFFFF;
	p2 =	slt.u32 s8, $0xFFFFF086  }
0x1c: {  	p1 =	slt.u32 s9, $0xF7A;
	s5 =	simm.s32 @!p2 $0x0  }
0x1d: {  	s5 =	simm.s32 @p1 $0x1;
	p0 =	seq.s32 s7, s2  }
0x1e: {  	s7 =	smul.u32 @!p0 $0xF7A, s2;
	p2 =	seq.s32 @!p0 s5, $0x0  }
0x1f: {  	s9 =	smul.u32 $0xF7A, s1;
	s8 =	simm.s32 @!p0 $0x1BF5;
	p2 =	por !p2, p0  }
0x20: {  	[sflag:s8] =	ssyncset.s32 @!p0 $0xFFFFF086;
	s6 =	sadd.s32 @!p0 s3, s7;
	s7 =	simm.s32 @!p0 $0x108  }
0x21: {  	s3 =	sadd.s32 s3, s9;
	s6 =	sadd.s32 @!p0 $0x88, s6;
	s7 =	simm.s32 @p2 $0x1082  }
0x22: {  	[simem:s7], [sflag:s8] =	dma.local @!p0 [hbm:s6], $0xF7A  }
0x23: {  	s9 =	sor.u32 $0xD0000000, s2;
	s6 =	simm.s32 $0x108;
	_ =	swait.ge @!p0 [sflag:s8], $0x0  }
0x24: {  	s3 =	sadd.s32 $0x88, s3;
	s6 =	simm.s32 @!p1 $0x1082;
	[sflag:s4] =	ssyncset.s32 $0xFFFFF086  }
0x25: {  	[simem:s6], [sflag:s4] =	dma.local [hbm:s3], $0xF7A  }
0x26: {  	[smem:$0x3F99] =	sst s1;
	(tag) =	ssettag s2;
	_ =	strace s9  }
0x27: {  	s1 =	sld [smem:$0x3FA9]  }
0x28: {  	s2 =	sld [smem:$0x3FAA]  }
0x29: {  	s4 =	sld [smem:$0x3FAC]  }
0x2a: {  	p0 =	seq.s32 s5, $0x0;
	s5 =	sld [smem:$0x3FAD]  }
0x2b: {  	s6 =	sld [smem:$0x3FAE]  }
0x2c: {  	s7 =	sld [smem:$0x3FAF]  }
0x2d: {  	s3 =	simm.s32 $0x108;
	s8 =	sld [smem:$0x3FB0]  }
0x2e: {  	s3 =	simm.s32 @!p0 $0x1082;
	s9 =	sld [smem:$0x3FB1]  }
0x2f: {  	lr =	sadd.s32 s0, s3;
	s0 =	sld [smem:$0x3FA8]  }
0x30: {  	s3 =	sld [smem:$0x3FAB]  }
0x31: {  	[smem:$0x3FB4] =	sst s10  }
0x32: {  	s10 =	sld [smem:$0x3FB2];
	_ =	sdelay $0x3  }
0x33: {  	p0 =	seq.s32 s10, $0x1;
	s10 =	sld [smem:$0x3FB4];
	_ =	sdelay $0x3  }
0x34: {  	[smem:$0x3FB4] =	sst s10  }
0x35: {  	s10 =	sld [smem:$0x3FB3];
	_ =	sdelay $0x3  }
0x36: {  	p1 =	seq.s32 s10, $0x1;
	s10 =	sld [smem:$0x3FB4];
	_ =	sdelay $0x3  }
0x37: {  	[smem:$0x3FB4] =	sst s10  }
0x38: {  	s10 =	sld [smem:$0x3FB5]  }
0x39: {  	_ = 	snop;
	(pc) =	sbr.ind lr, $3  }
0x3a: {  	_ = 	snop  }
0x3b: {  	_ = 	snop  }
0x3c: {  	p2 =	seq.s32 s10, $0x1;
	s10 =	sld [smem:$0x3FB4]  }
0x3d: {  	_ =	shalt  }
0x3e: {  	_ =	shalt  }
0x3f: {  	_ =	shalt  }
0x40: {  	_ =	shalt  }
0x41: {  	_ =	shalt  }
0x42: {  	_ =	shalt  }
0x43: {  	_ =	shalt  }
0x44: {  	_ =	shalt  }
0x45: {  	_ =	shalt  }
0x46: {  	_ =	shalt  }
0x47: {  	_ =	shalt  }
0x48: {  	_ =	shalt  }
0x49: {  	_ =	shalt  }
0x4a: {  	_ =	shalt  }
0x4b: {  	_ =	shalt  }
0x4c: {  	_ =	shalt  }
0x4d: {  	_ =	shalt  }
0x4e: {  	_ =	shalt  }
0x4f: {  	_ =	shalt  }
0x50: {  	_ =	shalt  }
0x51: {  	_ =	shalt  }
0x52: {  	_ =	shalt  }
0x53: {  	_ =	shalt  }
0x54: {  	_ =	shalt  }
0x55: {  	_ =	shalt  }
0x56: {  	_ =	shalt  }
0x57: {  	_ =	shalt  }
0x58: {  	_ =	shalt  }
0x59: {  	_ =	shalt  }
0x5a: {  	_ =	shalt  }
0x5b: {  	_ =	shalt  }
0x5c: {  	_ =	shalt  }
0x5d: {  	_ =	shalt  }
0x5e: {  	_ =	shalt  }
0x5f: {  	_ =	shalt  }
0x60: {  	_ =	shalt  }
0x61: {  	_ =	shalt  }
0x62: {  	_ =	shalt  }
0x63: {  	_ =	shalt  }
0x64: {  	_ =	shalt  }
0x65: {  	_ =	shalt  }
0x66: {  	_ =	shalt  }
0x67: {  	_ =	shalt  }
0x68: {  	_ =	shalt  }
0x69: {  	_ =	shalt  }
0x6a: {  	_ =	shalt  }
0x6b: {  	_ =	shalt  }
0x6c: {  	_ =	shalt  }
0x6d: {  	_ =	shalt  }
0x6e: {  	_ =	shalt  }
0x6f: {  	_ =	shalt  }
0x70: {  	_ =	shalt  }
0x71: {  	_ =	shalt  }
0x72: {  	_ =	shalt  }
0x73: {  	_ =	shalt  }
0x74: {  	_ =	shalt  }
0x75: {  	_ =	shalt  }
0x76: {  	_ =	shalt  }
0x77: {  	_ =	shalt  }
0x78: {  	_ =	shalt  }
0x79: {  	_ =	shalt  }
0x7a: {  	_ =	shalt  }
0x7b: {  	_ =	shalt  }
0x7c: {  	_ =	shalt  }
0x7d: {  	_ =	shalt  }
0x7e: {  	_ =	shalt  }
0x7f: {  	_ =	shalt  }
0x80: {  	_ =	shalt  }
0x81: {  	_ =	shalt  }
0x82: {  	_ =	shalt  }
0x83: {  	_ =	shalt  }
0x84: {  	_ =	shalt  }
0x85: {  	_ =	shalt  }
0x86: {  	_ =	shalt  }
0x87: {  	_ =	shalt  }
.Lfunc_end0:
.L_simem_size_0:
called_computation.1_lowered:
.L_overlay_start_0:
0x88: {  	s2 =	sld [smem:$0x3FD9]  }
0x89: {  	s3 =	sld [smem:$0x3FFE];
	_ =	sdelay $0x1  }
0x8a: {  	s1 =	srdreg.scid  }
0x8b: {  	s0 =	sand.u32 $0x1, s1  }
0x8c: {  	s17 =	sshll.u32 s0, $0xA;
	s2 =	sadd.s32 s3, s2  }
0x8d: {  	s2 =	sadd.s32 s2, s17  }
0x8e: {  	[smem:$0x3FC0] =	sst s2  }
0x8f: {  	_ = 	snop  }
0x90: {  	s2 =	sld [smem:$0x3FD0];
	(tm) =	ssettm $0x1  }
0x91: {  	s18 =	sld [smem:$0x3FFB];
	_ =	sdelay $0x3  }
0x92: {  	_ =	strace s18  }
0x93: {  	s3 =	sld [smem:$0x3FFC];
	_ =	sdelay $0x3  }
0x94: {  	_ =	strace s3  }
0x95: {  	s3 =	sld [smem:$0x3FFD];
	_ =	sdelay $0x3  }
0x96: {  	_ =	strace s3  }
0x97: {  	_ =	strace $0x8FFFFFFF  }
0x98: {  	s19 =	sld [smem:$0x3FDB];
	_ =	sdelay $0x1  }
0x99: {  	s4 =	simm.s32 $_scs_section_size  }
0x9a: {  	s5 =	simm.s32 $_size__tile_overlayer_lowered;
	s6 =	simm.s32 $_tile_overlayer_lowered  }
0x9b: {  	s22 =	simm.s32 $0x1BFF;
	s21 =	sshll.u32 s6, $0x1;
	s3 =	sadd.s32 s4, s19  }
0x9c: {  	s7 =	simm.s32 $0x0;
	s20 =	sshll.u32 s5, $0x1;
	s5 =	sadd.s32 s21, s3  }
0x9d: {  	[timem:s7], [sflag:s22] =	dma.local [hbm:s5], s20  }
0x9e: {  	_ =	swait.ge [sflag:s22], s20  }
0x9f: {  	s4 =	ssub.s32 $0x0, s20;
	[sflag:s22] =	ssyncset.done $0x0  }
0xa0: {  	[sflag:s22] =	ssyncadd.s32 s4;
	_ =	sdelay $0x1  }
0xa1: {  	s23 =	simm.s32 $0x1B8B  }
0xa2: {  	_ =	swait.ge [sflag:s23], $0x1  }
0xa3: {  	[sflag:s23] =	ssyncset.done $0x0  }
0xa4: {  	s25 =	simm.s32 $0x1B8E;
	s24 =	sld [smem:$0x3FFE];
	[sflag:s23] =	ssyncadd.s32 $0xFFFFFFFF  }
0xa5: {  	s26 =	simm.s32 $execute0_lowered;
	[smem:$0x3FD2] =	sst s25  }
0xa6: {  	s5 =	sshll.u32 s26, $0x1;
	_ =	strace $0x80000049;
	[dreg:$0x1] =	wrdreg $0xFFFFFFFF  }
0xa7: {  	s28 =	simm.s32 $_size_execute0_lowered;
	s3 =	sadd.s32 s3, s5;
	[dreg:$0x0] =	wrdreg $0x0  }
0xa8: {  	s5 =	sshll.u32 s28, $0x1;
	[dreg:$0x2] =	wrdreg s3  }
0xa9: {  	[dreg:$0x3] =	wrdreg s5  }
0xaa: {  	[dreg:$0x4] =	wrdreg $0xC0  }
0xab: {  	_ =	task [dreg:s7], $0x5FFFF  }
0xac: {  	[dreg:$0x1] =	wrdreg $0xFFFFFFFF  }
0xad: {  	[dreg:$0x0] =	wrdreg $0x60  }
0xae: {  	[dreg:$0x2] =	wrdreg s24  }
0xaf: {  	[dreg:$0x3] =	wrdreg s2  }
0xb0: {  	[dreg:$0x4] =	wrdreg $0x9  }
0xb1: {  	_ =	task.clear_ibuf [dreg:s7], $0x5FFFF;
	_ =	strace $0x90000049  }
0xb2: {  	s29 =	simm.s32 $0x9;
	_ =	strace $0x8000004B  }
0xb3: {  	_ =	swait.ge [sflag:s29], $0x1  }
0xb4: {  	[sflag:s29] =	ssyncadd.s32 $0xFFFFFFFF  }
0xb5: {  	_ =	strace $0x9000004B  }
0xb6: {  	_ =	sfence  }
0xb7: {  	s30 =	sld [smem:$0x0];
	_ =	sdelay $0x2  }
0xb8: {  	s31 =	sshll.u32 s1, $0xD;
	s1 =	sshrl.u32 s1, $0x2  }
0xb9: {  	s3 =	sand.u32 $0x4000, s31;
	s1 =	sadd.s32 s1, s30  }
0xba: {  	s0 =	sor.u32 s3, s0;
	s1 =	sshll.u32 s1, $0x11  }
0xbb: {  	s0 =	sor.u32 s1, s0  }
0xbc: {  	s0 =	sadd.s32 $0x8F2B, s0  }
0xbd: {  	[sflag:s0] =	ssyncadd.remote.s32 $0x1  }
0xbe: {  	_ =	sfence.sel $0xFFFF  }
0xbf: {  	[dreg:$0x0] =	wrdreg $0xFFFFFFFF;
	(pc) =	sbr.abs _section_cstart, $3  }
0xc0: {  	[dreg:$0x1] =	wrdreg $0xFFFFFFFF  }
0xc1: {  	_ =	task.clear_ibuf [dreg:s7], $0x2FFFF;
	_ =	strace $0x9FFFFFFF  }
0xc2: {  	(tm) =	ssettm $0x7FFFFFFF  }
0xc3: {  	_ =	shalt  }
tec
execute0_lowered:
.L_overlay_start_1:
0x0: {  	(tag) =	ssettag $0x1  }
0x1: {  	s0 =	rddreg [dreg:$0x0]  }
0x2: {  	s10 =	rddreg [dreg:$0x1]  }
0x3: {  	s2 =	simm.s32 $0x0;
	s3 =	srdreg.scid;
	s1 =	stileid.u32  }
0x4: {  	s15 =	simm.s32 $0x100;
	s16 =	simm.s32 $0x900;
	s17 =	simm.s32 $0xD00  }
0x5: {  	s18 =	simm.s32 $0x1500;
	s19 =	simm.s32 $0x1900;
	s20 =	simm.s32 $0x2100  }
0x6: {  	s28 =	simm.s32 $0x4900;
	s29 =	simm.s32 $0x5100;
	s30 =	simm.s32 $0x5500  }
0x7: {  	s31 =	simm.s32 $0x5D00;
	[smem:$0x7FF] =	sst s2;
	s4 =	sand.u32 $0x1, s3  }
0x8: {  	s3 =	sadd.s32 $0x3000, s0;
	s6 =	sshll.u32 s1, $0xA;
	s8 =	sadd.s32 $0x2800, s0  }
0x9: {  	s11 =	sadd.s32 $0x63000, s0;
	s21 =	sshll.u32 s1, $0x7;
	s23 =	sadd.s32 $0x2810, s0  }
0xa: {  	_ =	strace $0x8000004A;
	s5 =	sshll.u32 s4, $0x6;
	s4 =	ssub.s32 $0x2, s4  }
0xb: {  	s7 =	sor.u32 s5, s6;
	s9 =	sshrl.u32 s4, $0x1;
	s5 =	sor.u32 s5, s21  }
0xc: {  	s21 =	simm.s32 $0x2500;
	s7 =	sshrl.u32 s7, $0x3;
	s12 =	ssub.s32 s4, s9  }
0xd: {  	s24 =	sshrl.u32 s5, $0x3;
	s5 =	sor.u32 $0x20, s5;
	s22 =	sadd.s32 s8, s7  }
0xe: {  	s4 =	sadd.s32 s7, s23;
	s7 =	smul.u32 $0x180, s24;
	s13 =	sand.u32 $0x60, s5  }
0xf: {  	s14 =	sshrl.u32 s5, $0x3;
	s5 =	sadd.s32 $0x3100, s0;
	s12 =	smax.u32 s12, $0x1  }
0x10: {  	s24 =	simm.s32 $0x3900;
	[dreg:$0x3] =	wrdreg s22;
	s25 =	sor.u32 s6, s13  }
0x11: {  	s26 =	smul.u32 $0x180, s14;
	s13 =	simm.s32 $0x2;
	s14 =	simm.s32 $0x80  }
0x12: {  	s22 =	simm.s32 $0x2D00;
	s6 =	sadd.s32 s10, s7;
	s0 =	sshrl.u32 s25, $0x3  }
0x13: {  	v2 =	vlaneseq.u32;
	s7 =	sadd.s32 s11, s7;
	s25 =	simm.s32 $0x3D00;
	s8 =	sadd.s32 s8, s0  }
0x14: {  	vm0 =	vmmov $0xffff;
	vm1 =	vmmov $0xff;
	v1 =	vshrl.u32 v2, $0x3;
	s9 =	sadd.s32 s0, s23;
	s10 =	sadd.s32 s10, s26;
	s11 =	sadd.s32 s11, s26  }
0x15: {  	v0 =	vand.u32 $0x7, v2;
	v2 =	vor.u32 $0x8, v2;
	v1 =	vmul.u32 $0x8, v1;
	s23 =	simm.s32 $0x3100;
	s26 =	simm.s32 $0x4500;
	s0 =	simm.s32 $0x1  }
.LBB2_1:
0x16: {  	s1 =	rddreg [dreg:$0x3]  }
0x17: {  	[tilespmem:s2], [sflag:$0x2] =	stream.linear.gather [hbm4b:s1+s2], $0x20, $0x38;
	[tilespmem:$0x6100] =	vst v63  }
0x18: {  	_ =	swait.ge [sflag:s13], $0x20  }
0x19: {  	[sflag:s13] =	ssyncset.done $0x0  }
0x1a: {  	[sflag:s13] =	ssyncadd.s32 $0xFFFFFFE0  }
0x1b: {  	[tilespmem:s14], [sflag:$0x2] =	stream.linear.gather [hbm4b:s4+s2], $0x20, $0x38;
	[tilespmem:$0x6100] =	vst v63  }
0x1c: {  	_ =	swait.ge [sflag:s13], $0x20  }
0x1d: {  	[sflag:s13] =	ssyncset.done $0x0  }
0x1e: {  	[sflag:s13] =	ssyncadd.s32 $0xFFFFFFE0  }
0x1f: {  	v3 =	vld [tilespmem:$0x0];
	_ =	sdelay $0x4  }
0x20: {  	v4 =	vshrl.u32 v3, $0x3  }
0x21: {  	v4 =	vmul.u32 $0x18, v4  }
0x22: {  	v3 =	vand.u32 $0x7, v3  }
0x23: {  	v3 =	vor.u32 v3, v4  }
0x24: {  	v4 =	vperm.xlane v3, v0;
	_ =	sdelay $0x1  }
0x25: {  	v4 =	vadd.s32 v1, v4;
	_ =	sdelay $0x1  }
0x26: {  	v3 =	vperm.xlane v3, v2;
	_ =	sdelay $0x1  }
0x27: {  	v3 =	vadd.s32 v1, v3  }
0x28: {  	[tilespmem:s15], [sflag:$0x1] =	stream.indirect_vreg.gather [hbm4b:s3+s2], $0x80, v4, vm0, $0xb8;
	[tilespmem:$0x6100] =	vst v63  }
0x29: {  	_ = 	snop  }
0x2a: {  	[tilespmem:s16], [sflag:$0x1] =	stream.indirect_vreg.gather [hbm4b:s5+s2], $0x80, v4, vm1, $0xb8;
	[tilespmem:$0x6100] =	vst v63  }
0x2b: {  	_ = 	snop  }
0x2c: {  	[tilespmem:s17], [sflag:$0x1] =	stream.indirect_vreg.gather [hbm4b:s3+s2], $0x80, v3, vm0, $0xb8;
	[tilespmem:$0x6100] =	vst v63  }
0x2d: {  	_ = 	snop  }
0x2e: {  	[tilespmem:s18], [sflag:$0x1] =	stream.indirect_vreg.gather [hbm4b:s5+s2], $0x80, v3, vm1, $0xb8;
	[tilespmem:$0x6100] =	vst v63  }
0x2f: {  	v3 =	vld [tilespmem:$0x10];
	_ =	sdelay $0x4  }
0x30: {  	v57 =	vshrl.u32 v3, $0x3  }
0x31: {  	v4 =	vmul.u32 $0x18, v57  }
0x32: {  	v3 =	vand.u32 $0x7, v3  }
0x33: {  	v3 =	vor.u32 v3, v4  }
0x34: {  	v4 =	vperm.xlane v3, v0;
	_ =	sdelay $0x1  }
0x35: {  	v4 =	vadd.s32 v1, v4;
	_ =	sdelay $0x1  }
0x36: {  	v3 =	vperm.xlane v3, v2;
	_ =	sdelay $0x1  }
0x37: {  	v3 =	vadd.s32 v1, v3  }
0x38: {  	[tilespmem:s19], [sflag:$0x1] =	stream.indirect_vreg.gather [hbm4b:s3+s2], $0x80, v4, vm0, $0xb8;
	[tilespmem:$0x6100] =	vst v63  }
0x39: {  	_ = 	snop  }
0x3a: {  	[tilespmem:s20], [sflag:$0x1] =	stream.indirect_vreg.gather [hbm4b:s5+s2], $0x80, v4, vm1, $0xb8;
	[tilespmem:$0x6100] =	vst v63  }
0x3b: {  	_ = 	snop  }
0x3c: {  	[tilespmem:s21], [sflag:$0x1] =	stream.indirect_vreg.gather [hbm4b:s3+s2], $0x80, v3, vm0, $0xb8;
	[tilespmem:$0x6100] =	vst v63  }
0x3d: {  	_ = 	snop  }
0x3e: {  	[tilespmem:s22], [sflag:$0x1] =	stream.indirect_vreg.gather [hbm4b:s5+s2], $0x80, v3, vm1, $0xb8;
	[tilespmem:$0x6100] =	vst v63  }
0x3f: {  	v3 =	vld [tilespmem:$0x80];
	_ =	sdelay $0x4  }
0x40: {  	v58 =	vshrl.u32 v3, $0x3  }
0x41: {  	v4 =	vmul.u32 $0x18, v58  }
0x42: {  	v3 =	vand.u32 $0x7, v3  }
0x43: {  	v3 =	vor.u32 v3, v4  }
0x44: {  	v4 =	vperm.xlane v3, v0;
	_ =	sdelay $0x1  }
0x45: {  	v4 =	vadd.s32 v1, v4;
	_ =	sdelay $0x1  }
0x46: {  	v3 =	vperm.xlane v3, v2;
	_ =	sdelay $0x1  }
0x47: {  	v3 =	vadd.s32 v1, v3  }
0x48: {  	[tilespmem:s23], [sflag:$0x1] =	stream.indirect_vreg.gather [hbm4b:s3+s2], $0x80, v4, vm0, $0xb8;
	[tilespmem:$0x6100] =	vst v63  }
0x49: {  	_ = 	snop  }
0x4a: {  	[tilespmem:s24], [sflag:$0x1] =	stream.indirect_vreg.gather [hbm4b:s5+s2], $0x80, v4, vm1, $0xb8;
	[tilespmem:$0x6100] =	vst v63  }
0x4b: {  	_ = 	snop  }
0x4c: {  	[tilespmem:s25], [sflag:$0x1] =	stream.indirect_vreg.gather [hbm4b:s3+s2], $0x80, v3, vm0, $0xb8;
	[tilespmem:$0x6100] =	vst v63  }
0x4d: {  	_ = 	snop  }
0x4e: {  	[tilespmem:s26], [sflag:$0x1] =	stream.indirect_vreg.gather [hbm4b:s5+s2], $0x80, v3, vm1, $0xb8;
	[tilespmem:$0x6100] =	vst v63  }
0x4f: {  	v3 =	vld [tilespmem:$0x90];
	_ =	sdelay $0x4  }
0x50: {  	v59 =	vshrl.u32 v3, $0x3  }
0x51: {  	v4 =	vmul.u32 $0x18, v59  }
0x52: {  	v3 =	vand.u32 $0x7, v3  }
0x53: {  	v3 =	vor.u32 v3, v4  }
0x54: {  	v4 =	vperm.xlane v3, v0;
	_ =	sdelay $0x1  }
0x55: {  	v4 =	vadd.s32 v1, v4;
	_ =	sdelay $0x1  }
0x56: {  	v3 =	vperm.xlane v3, v2;
	_ =	sdelay $0x1  }
0x57: {  	v3 =	vadd.s32 v1, v3  }
0x58: {  	[tilespmem:s28], [sflag:$0x1] =	stream.indirect_vreg.gather [hbm4b:s3+s2], $0x80, v4, vm0, $0xb8;
	[tilespmem:$0x6100] =	vst v63  }
0x59: {  	_ = 	snop  }
0x5a: {  	[tilespmem:s29], [sflag:$0x1] =	stream.indirect_vreg.gather [hbm4b:s5+s2], $0x80, v4, vm1, $0xb8;
	[tilespmem:$0x6100] =	vst v63  }
0x5b: {  	_ = 	snop  }
0x5c: {  	[tilespmem:s30], [sflag:$0x1] =	stream.indirect_vreg.gather [hbm4b:s3+s2], $0x80, v3, vm0, $0xb8;
	[tilespmem:$0x6100] =	vst v63  }
0x5d: {  	_ = 	snop  }
0x5e: {  	[tilespmem:s31], [sflag:$0x1] =	stream.indirect_vreg.gather [hbm4b:s5+s2], $0x80, v3, vm1, $0xb8;
	[tilespmem:$0x6100] =	vst v63  }
0x5f: {  	_ =	swait.ge [sflag:s0], $0x3000  }
0x60: {  	[sflag:s0] =	ssyncset.done $0x0  }
0x61: {  	[sflag:s0] =	ssyncadd.s32 $0xFFFFD000  }
0x62: {  	_ =	swait.ge [sflag:s0], $0x3000  }
0x63: {  	[sflag:s0] =	ssyncset.done $0x0  }
0x64: {  	[sflag:s0] =	ssyncadd.s32 $0xFFFFD000  }
0x65: {  	[hbm4b:s6+s2] =	stream.linear.scatter [tilespmem:s15], [sflag:$0x2], $0x3000, $0x38;
	[tilespmem:$0x6100] =	vst v63  }
0x66: {  	_ =	swait.ge [sflag:s13], $0x3000  }
0x67: {  	[sflag:s13] =	ssyncset.done $0x0  }
0x68: {  	[sflag:s13] =	ssyncadd.s32 $0xFFFFD000  }
0x69: {  	[hbm4b:s7+s2] =	stream.linear.scatter [tilespmem:s23], [sflag:$0x2], $0x3000, $0x38;
	[tilespmem:$0x6100] =	vst v63  }
0x6a: {  	_ =	swait.ge [sflag:s13], $0x3000  }
0x6b: {  	[sflag:s13] =	ssyncset.done $0x0  }
0x6c: {  	[sflag:s13] =	ssyncadd.s32 $0xFFFFD000  }
0x6d: {  	[tilespmem:s2], [sflag:$0x2] =	stream.linear.gather [hbm4b:s8+s2], $0x20, $0x38;
	[tilespmem:$0x6100] =	vst v63  }
0x6e: {  	_ =	swait.ge [sflag:s13], $0x20  }
0x6f: {  	[sflag:s13] =	ssyncset.done $0x0  }
0x70: {  	[sflag:s13] =	ssyncadd.s32 $0xFFFFFFE0  }
0x71: {  	[tilespmem:s14], [sflag:$0x2] =	stream.linear.gather [hbm4b:s9+s2], $0x20, $0x38;
	[tilespmem:$0x6100] =	vst v63  }
0x72: {  	_ =	swait.ge [sflag:s13], $0x20  }
0x73: {  	[sflag:s13] =	ssyncset.done $0x0  }
0x74: {  	[sflag:s13] =	ssyncadd.s32 $0xFFFFFFE0  }
0x75: {  	v3 =	vld [tilespmem:$0x0];
	_ =	sdelay $0x4  }
0x76: {  	v60 =	vshrl.u32 v3, $0x3  }
0x77: {  	v4 =	vmul.u32 $0x18, v60  }
0x78: {  	v3 =	vand.u32 $0x7, v3  }
0x79: {  	v3 =	vor.u32 v3, v4  }
0x7a: {  	v4 =	vperm.xlane v3, v0;
	_ =	sdelay $0x1  }
0x7b: {  	v4 =	vadd.s32 v1, v4;
	_ =	sdelay $0x1  }
0x7c: {  	v3 =	vperm.xlane v3, v2;
	_ =	sdelay $0x1  }
0x7d: {  	v3 =	vadd.s32 v1, v3  }
0x7e: {  	[tilespmem:s15], [sflag:$0x1] =	stream.indirect_vreg.gather [hbm4b:s3+s2], $0x80, v4, vm0, $0xb8;
	[tilespmem:$0x6100] =	vst v63  }
0x7f: {  	_ = 	snop  }
0x80: {  	[tilespmem:s16], [sflag:$0x1] =	stream.indirect_vreg.gather [hbm4b:s5+s2], $0x80, v4, vm1, $0xb8;
	[tilespmem:$0x6100] =	vst v63  }
0x81: {  	_ = 	snop  }
0x82: {  	[tilespmem:s17], [sflag:$0x1] =	stream.indirect_vreg.gather [hbm4b:s3+s2], $0x80, v3, vm0, $0xb8;
	[tilespmem:$0x6100] =	vst v63  }
0x83: {  	_ = 	snop  }
0x84: {  	[tilespmem:s18], [sflag:$0x1] =	stream.indirect_vreg.gather [hbm4b:s5+s2], $0x80, v3, vm1, $0xb8;
	[tilespmem:$0x6100] =	vst v63  }
0x85: {  	v3 =	vld [tilespmem:$0x10];
	_ =	sdelay $0x4  }
0x86: {  	v61 =	vshrl.u32 v3, $0x3  }
0x87: {  	v4 =	vmul.u32 $0x18, v61  }
0x88: {  	v3 =	vand.u32 $0x7, v3  }
0x89: {  	v3 =	vor.u32 v3, v4  }
0x8a: {  	v4 =	vperm.xlane v3, v0;
	_ =	sdelay $0x1  }
0x8b: {  	v4 =	vadd.s32 v1, v4;
	_ =	sdelay $0x1  }
0x8c: {  	v3 =	vperm.xlane v3, v2;
	_ =	sdelay $0x1  }
0x8d: {  	v3 =	vadd.s32 v1, v3  }
0x8e: {  	[tilespmem:s19], [sflag:$0x1] =	stream.indirect_vreg.gather [hbm4b:s3+s2], $0x80, v4, vm0, $0xb8;
	[tilespmem:$0x6100] =	vst v63  }
0x8f: {  	_ = 	snop  }
0x90: {  	[tilespmem:s20], [sflag:$0x1] =	stream.indirect_vreg.gather [hbm4b:s5+s2], $0x80, v4, vm1, $0xb8;
	[tilespmem:$0x6100] =	vst v63  }
0x91: {  	_ = 	snop  }
0x92: {  	[tilespmem:s21], [sflag:$0x1] =	stream.indirect_vreg.gather [hbm4b:s3+s2], $0x80, v3, vm0, $0xb8;
	[tilespmem:$0x6100] =	vst v63  }
0x93: {  	_ = 	snop  }
0x94: {  	[tilespmem:s22], [sflag:$0x1] =	stream.indirect_vreg.gather [hbm4b:s5+s2], $0x80, v3, vm1, $0xb8;
	[tilespmem:$0x6100] =	vst v63  }
0x95: {  	v3 =	vld [tilespmem:$0x80];
	_ =	sdelay $0x4  }
0x96: {  	v62 =	vshrl.u32 v3, $0x3  }
0x97: {  	v4 =	vmul.u32 $0x18, v62  }
0x98: {  	v3 =	vand.u32 $0x7, v3  }
0x99: {  	v3 =	vor.u32 v3, v4  }
0x9a: {  	v4 =	vperm.xlane v3, v0;
	_ =	sdelay $0x1  }
0x9b: {  	v4 =	vadd.s32 v1, v4;
	_ =	sdelay $0x1  }
0x9c: {  	v3 =	vperm.xlane v3, v2;
	_ =	sdelay $0x1  }
0x9d: {  	v3 =	vadd.s32 v1, v3  }
0x9e: {  	[tilespmem:s23], [sflag:$0x1] =	stream.indirect_vreg.gather [hbm4b:s3+s2], $0x80, v4, vm0, $0xb8;
	[tilespmem:$0x6100] =	vst v63  }
0x9f: {  	_ = 	snop  }
0xa0: {  	[tilespmem:s24], [sflag:$0x1] =	stream.indirect_vreg.gather [hbm4b:s5+s2], $0x80, v4, vm1, $0xb8;
	[tilespmem:$0x6100] =	vst v63  }
0xa1: {  	_ = 	snop  }
0xa2: {  	[tilespmem:s25], [sflag:$0x1] =	stream.indirect_vreg.gather [hbm4b:s3+s2], $0x80, v3, vm0, $0xb8;
	[tilespmem:$0x6100] =	vst v63  }
0xa3: {  	_ = 	snop  }
0xa4: {  	[tilespmem:s26], [sflag:$0x1] =	stream.indirect_vreg.gather [hbm4b:s5+s2], $0x80, v3, vm1, $0xb8;
	[tilespmem:$0x6100] =	vst v63  }
0xa5: {  	v3 =	vld [tilespmem:$0x90];
	_ =	sdelay $0x4  }
0xa6: {  	v63 =	vshrl.u32 v3, $0x3  }
0xa7: {  	v4 =	vmul.u32 $0x18, v63  }
0xa8: {  	v3 =	vand.u32 $0x7, v3  }
0xa9: {  	v3 =	vor.u32 v3, v4  }
0xaa: {  	v4 =	vperm.xlane v3, v0;
	_ =	sdelay $0x1  }
0xab: {  	v4 =	vadd.s32 v1, v4;
	_ =	sdelay $0x1  }
0xac: {  	v3 =	vperm.xlane v3, v2;
	_ =	sdelay $0x1  }
0xad: {  	v3 =	vadd.s32 v1, v3  }
0xae: {  	[tilespmem:s28], [sflag:$0x1] =	stream.indirect_vreg.gather [hbm4b:s3+s2], $0x80, v4, vm0, $0xb8;
	[tilespmem:$0x6100] =	vst v63  }
0xaf: {  	_ = 	snop  }
0xb0: {  	[tilespmem:s29], [sflag:$0x1] =	stream.indirect_vreg.gather [hbm4b:s5+s2], $0x80, v4, vm1, $0xb8;
	[tilespmem:$0x6100] =	vst v63  }
0xb1: {  	_ = 	snop  }
0xb2: {  	[tilespmem:s30], [sflag:$0x1] =	stream.indirect_vreg.gather [hbm4b:s3+s2], $0x80, v3, vm0, $0xb8;
	[tilespmem:$0x6100] =	vst v63  }
0xb3: {  	_ = 	snop  }
0xb4: {  	[tilespmem:s31], [sflag:$0x1] =	stream.indirect_vreg.gather [hbm4b:s5+s2], $0x80, v3, vm1, $0xb8;
	[tilespmem:$0x6100] =	vst v63  }
0xb5: {  	_ =	swait.ge [sflag:s0], $0x3000  }
0xb6: {  	[sflag:s0] =	ssyncset.done $0x0  }
0xb7: {  	[sflag:s0] =	ssyncadd.s32 $0xFFFFD000  }
0xb8: {  	_ =	swait.ge [sflag:s0], $0x3000  }
0xb9: {  	[sflag:s0] =	ssyncset.done $0x0  }
0xba: {  	[sflag:s0] =	ssyncadd.s32 $0xFFFFD000  }
0xbb: {  	[hbm4b:s10+s2] =	stream.linear.scatter [tilespmem:s15], [sflag:$0x2], $0x3000, $0x38;
	[tilespmem:$0x6100] =	vst v63  }
0xbc: {  	_ =	swait.ge [sflag:s13], $0x3000  }
0xbd: {  	p0 =	sne.s32 s12, $0x1;
	[sflag:s13] =	ssyncset.done $0x0  }
.Ltmp0:
0xbe: {  	[sflag:s13] =	ssyncadd.s32 $0xFFFFD000;
	(pc) =	sbr.rel @p0 .LBB2_1-.Ltmp0, $4  }
0xbf: {  	[hbm4b:s11+s2] =	stream.linear.scatter [tilespmem:s23], [sflag:$0x2], $0x3000, $0x38;
	[tilespmem:$0x6100] =	vst v63  }
0xc0: {  	_ =	swait.ge [sflag:s13], $0x3000  }
0xc1: {  	[sflag:s13] =	ssyncset.done $0x0  }
0xc2: {  	s12 =	sadd.s32 $0xFFFFFFFF, s12;
	[sflag:s13] =	ssyncadd.s32 $0xFFFFD000  }
0xc3: {  	_ =	sfence.sel $0x180000  }
0xc4: {  	[bflag:$0x0] =	sbarrier.arrive $0xFFFF  }
0xc5: {  	_ =	strace $0x9000004A  }
0xc6: {  	s0 =	stileid.u32;
	[bflag:$0x2] =	sbarrier.arrive $0xFFFF  }
0xc7: {  	p0 =	sne.s32 s0, $0x0;
	s0 =	rddreg [dreg:$0x2]  }
0xc8: {  	s0 =	sadd.s32 @!p0 $0x100000, s0  }
0xc9: {  	[sflag:s0] =	ssyncadd.tile.s32 @!p0 $0x1;
	_ =	shalt  }
.Lfunc_end2:
_tile_overlayer_lowered:
.L_overlay_start_2:
0xca: {  	(tag) =	ssettag $0x2  }
0xcb: {  	s0 =	rddreg [dreg:$0x0];
	s2 =	stileid.u32  }
0xcc: {  	s1 =	rddreg [dreg:$0x1];
	p0 =	sne.s32 s2, $0x0  }
0xcd: {  	s3 =	rddreg [dreg:$0x2];
	[bflag:$0x3] =	sbarrier.arrive $0xFFFF;
	s2 =	simm.s32 @!p0 $0x1C02  }
0xce: {  	[timem:s3], [sflag:s2] =	dma.local @!p0 [hbm:s0], s1  }
0xcf: {  	s0 =	simm.s32 @!p0 $0x2  }
0xd0: {  	_ =	swait.ge @!p0 [sflag:s0], s1  }
0xd1: {  	s1 =	ssub.s32 @!p0 $0x0, s1;
	[sflag:s0] =	ssyncset.done @!p0 $0x0  }
0xd2: {  	[sflag:s0] =	ssyncadd.s32 @!p0 s1  }
0xd3: {  	[bflag:$0x3] =	sbarrier.arrive $0xFFFF  }
0xd4: {  	_ =	shalt  }

// kernel: kernel.9.cloned.1.call-start
scs
__scs_entry_jumppad:
0x0: {  	(pc) =	sbr.rel $0x88, $3  }
0x1: {  	(tag) =	ssettag $0x0;
	lr =	simm.s32 $0x1  }
0x2: {  	[smem:$0x3F99] =	sst lr;
	_ =	strace $0xD0000000  }
0x3: {  	_ = 	snop  }
0x4: {  	_ = 	snop  }
0x5: {  	_ = 	snop  }
0x6: {  	_ = 	snop  }
0x7: {  	_ = 	snop  }
__scs_overlays_trampoline_lowered:
0x8: {  	[smem:$0x3FA8] =	sst s0  }
0x9: {  	[smem:$0x3FA9] =	sst s1  }
0xa: {  	[smem:$0x3FAA] =	sst s2  }
0xb: {  	[smem:$0x3FAB] =	sst s3  }
0xc: {  	[smem:$0x3FAC] =	sst s4  }
0xd: {  	[smem:$0x3FAD] =	sst s5  }
0xe: {  	[smem:$0x3FAE] =	sst s6  }
0xf: {  	[smem:$0x3FAF] =	sst s7  }
0x10: {  	[smem:$0x3FB0] =	sst s8  }
0x11: {  	[smem:$0x3FB1] =	sst s9;
	s0 =	simm.s32 @!p0 $0x0  }
0x12: {  	s1 =	sld [smem:$0x3F97];
	s0 =	simm.s32 @p0 $0x1  }
0x13: {  	[smem:$0x3FB2] =	sst s0;
	s0 =	simm.s32 @!p1 $0x0  }
0x14: {  	s2 =	sld [smem:$0x3F96];
	s0 =	simm.s32 @p1 $0x1  }
0x15: {  	[smem:$0x3FB3] =	sst s0;
	s0 =	simm.s32 @!p2 $0x0  }
0x16: {  	s3 =	sld [smem:$0x3FDB];
	s0 =	simm.s32 @p2 $0x1  }
0x17: {  	s4 =	simm.s32 $0x1BF5;
	[smem:$0x3FB5] =	sst s0  }
0x18: {  	s0 =	sld [smem:$0x3F98];
	_ =	swait.ge [sflag:s4], $0x0  }
0x19: {  	s7 =	sld [smem:$0x3F99]  }
0x1a: {  	s8 =	sadd.s32 $0xFFFFE003, lr  }
0x1b: {  	s9 =	sadd.s32 $0xFFFFFEF7, lr;
	s5 =	simm.s32 $0xFFFFFFFF;
	p2 =	slt.u32 s8, $0xFFFFF086  }
0x1c: {  	p1 =	slt.u32 s9, $0xF7A;
	s5 =	simm.s32 @!p2 $0x0  }
0x1d: {  	s5 =	simm.s32 @p1 $0x1;
	p0 =	seq.s32 s7, s2  }
0x1e: {  	s7 =	smul.u32 @!p0 $0xF7A, s2;
	p2 =	seq.s32 @!p0 s5, $0x0  }
0x1f: {  	s9 =	smul.u32 $0xF7A, s1;
	s8 =	simm.s32 @!p0 $0x1BF5;
	p2 =	por !p2, p0  }
0x20: {  	[sflag:s8] =	ssyncset.s32 @!p0 $0xFFFFF086;
	s6 =	sadd.s32 @!p0 s3, s7;
	s7 =	simm.s32 @!p0 $0x108  }
0x21: {  	s3 =	sadd.s32 s3, s9;
	s6 =	sadd.s32 @!p0 $0x88, s6;
	s7 =	simm.s32 @p2 $0x1082  }
0x22: {  	[simem:s7], [sflag:s8] =	dma.local @!p0 [hbm:s6], $0xF7A  }
0x23: {  	s9 =	sor.u32 $0xD0000000, s2;
	s6 =	simm.s32 $0x108;
	_ =	swait.ge @!p0 [sflag:s8], $0x0  }
0x24: {  	s3 =	sadd.s32 $0x88, s3;
	s6 =	simm.s32 @!p1 $0x1082;
	[sflag:s4] =	ssyncset.s32 $0xFFFFF086  }
0x25: {  	[simem:s6], [sflag:s4] =	dma.local [hbm:s3], $0xF7A  }
0x26: {  	[smem:$0x3F99] =	sst s1;
	(tag) =	ssettag s2;
	_ =	strace s9  }
0x27: {  	s1 =	sld [smem:$0x3FA9]  }
0x28: {  	s2 =	sld [smem:$0x3FAA]  }
0x29: {  	s4 =	sld [smem:$0x3FAC]  }
0x2a: {  	p0 =	seq.s32 s5, $0x0;
	s5 =	sld [smem:$0x3FAD]  }
0x2b: {  	s6 =	sld [smem:$0x3FAE]  }
0x2c: {  	s7 =	sld [smem:$0x3FAF]  }
0x2d: {  	s3 =	simm.s32 $0x108;
	s8 =	sld [smem:$0x3FB0]  }
0x2e: {  	s3 =	simm.s32 @!p0 $0x1082;
	s9 =	sld [smem:$0x3FB1]  }
0x2f: {  	lr =	sadd.s32 s0, s3;
	s0 =	sld [smem:$0x3FA8]  }
0x30: {  	s3 =	sld [smem:$0x3FAB]  }
0x31: {  	[smem:$0x3FB4] =	sst s10  }
0x32: {  	s10 =	sld [smem:$0x3FB2];
	_ =	sdelay $0x3  }
0x33: {  	p0 =	seq.s32 s10, $0x1;
	s10 =	sld [smem:$0x3FB4];
	_ =	sdelay $0x3  }
0x34: {  	[smem:$0x3FB4] =	sst s10  }
0x35: {  	s10 =	sld [smem:$0x3FB3];
	_ =	sdelay $0x3  }
0x36: {  	p1 =	seq.s32 s10, $0x1;
	s10 =	sld [smem:$0x3FB4];
	_ =	sdelay $0x3  }
0x37: {  	[smem:$0x3FB4] =	sst s10  }
0x38: {  	s10 =	sld [smem:$0x3FB5]  }
0x39: {  	_ = 	snop;
	(pc) =	sbr.ind lr, $3  }
0x3a: {  	_ = 	snop  }
0x3b: {  	_ = 	snop  }
0x3c: {  	p2 =	seq.s32 s10, $0x1;
	s10 =	sld [smem:$0x3FB4]  }
0x3d: {  	_ =	shalt  }
0x3e: {  	_ =	shalt  }
0x3f: {  	_ =	shalt  }
0x40: {  	_ =	shalt  }
0x41: {  	_ =	shalt  }
0x42: {  	_ =	shalt  }
0x43: {  	_ =	shalt  }
0x44: {  	_ =	shalt  }
0x45: {  	_ =	shalt  }
0x46: {  	_ =	shalt  }
0x47: {  	_ =	shalt  }
0x48: {  	_ =	shalt  }
0x49: {  	_ =	shalt  }
0x4a: {  	_ =	shalt  }
0x4b: {  	_ =	shalt  }
0x4c: {  	_ =	shalt  }
0x4d: {  	_ =	shalt  }
0x4e: {  	_ =	shalt  }
0x4f: {  	_ =	shalt  }
0x50: {  	_ =	shalt  }
0x51: {  	_ =	shalt  }
0x52: {  	_ =	shalt  }
0x53: {  	_ =	shalt  }
0x54: {  	_ =	shalt  }
0x55: {  	_ =	shalt  }
0x56: {  	_ =	shalt  }
0x57: {  	_ =	shalt  }
0x58: {  	_ =	shalt  }
0x59: {  	_ =	shalt  }
0x5a: {  	_ =	shalt  }
0x5b: {  	_ =	shalt  }
0x5c: {  	_ =	shalt  }
0x5d: {  	_ =	shalt  }
0x5e: {  	_ =	shalt  }
0x5f: {  	_ =	shalt  }
0x60: {  	_ =	shalt  }
0x61: {  	_ =	shalt  }
0x62: {  	_ =	shalt  }
0x63: {  	_ =	shalt  }
0x64: {  	_ =	shalt  }
0x65: {  	_ =	shalt  }
0x66: {  	_ =	shalt  }
0x67: {  	_ =	shalt  }
0x68: {  	_ =	shalt  }
0x69: {  	_ =	shalt  }
0x6a: {  	_ =	shalt  }
0x6b: {  	_ =	shalt  }
0x6c: {  	_ =	shalt  }
0x6d: {  	_ =	shalt  }
0x6e: {  	_ =	shalt  }
0x6f: {  	_ =	shalt  }
0x70: {  	_ =	shalt  }
0x71: {  	_ =	shalt  }
0x72: {  	_ =	shalt  }
0x73: {  	_ =	shalt  }
0x74: {  	_ =	shalt  }
0x75: {  	_ =	shalt  }
0x76: {  	_ =	shalt  }
0x77: {  	_ =	shalt  }
0x78: {  	_ =	shalt  }
0x79: {  	_ =	shalt  }
0x7a: {  	_ =	shalt  }
0x7b: {  	_ =	shalt  }
0x7c: {  	_ =	shalt  }
0x7d: {  	_ =	shalt  }
0x7e: {  	_ =	shalt  }
0x7f: {  	_ =	shalt  }
0x80: {  	_ =	shalt  }
0x81: {  	_ =	shalt  }
0x82: {  	_ =	shalt  }
0x83: {  	_ =	shalt  }
0x84: {  	_ =	shalt  }
0x85: {  	_ =	shalt  }
0x86: {  	_ =	shalt  }
0x87: {  	_ =	shalt  }
.Lfunc_end0:
.L_simem_size_0:
called_computation_lowered:
.L_overlay_start_0:
0x88: {  	s2 =	sld [smem:$0x3FD9]  }
0x89: {  	s3 =	sld [smem:$0x3FFE];
	_ =	sdelay $0x1  }
0x8a: {  	s1 =	srdreg.scid  }
0x8b: {  	s0 =	sand.u32 $0x1, s1  }
0x8c: {  	s17 =	sshll.u32 s0, $0xA;
	s2 =	sadd.s32 s3, s2  }
0x8d: {  	s2 =	sadd.s32 s2, s17  }
0x8e: {  	[smem:$0x3FC0] =	sst s2  }
0x8f: {  	_ = 	snop  }
0x90: {  	s2 =	sld [smem:$0x3FD0];
	(tm) =	ssettm $0x1  }
0x91: {  	s18 =	sld [smem:$0x3FFB];
	_ =	sdelay $0x3  }
0x92: {  	_ =	strace s18  }
0x93: {  	s3 =	sld [smem:$0x3FFC];
	_ =	sdelay $0x3  }
0x94: {  	_ =	strace s3  }
0x95: {  	s3 =	sld [smem:$0x3FFD];
	_ =	sdelay $0x3  }
0x96: {  	_ =	strace s3  }
0x97: {  	_ =	strace $0x8FFFFFFF  }
0x98: {  	s19 =	sld [smem:$0x3FDB];
	_ =	sdelay $0x1  }
0x99: {  	s4 =	simm.s32 $_scs_section_size  }
0x9a: {  	s5 =	simm.s32 $_size__tile_overlayer_lowered;
	s6 =	simm.s32 $_tile_overlayer_lowered  }
0x9b: {  	s22 =	simm.s32 $0x1BFF;
	s21 =	sshll.u32 s6, $0x1;
	s3 =	sadd.s32 s4, s19  }
0x9c: {  	s7 =	simm.s32 $0x0;
	s20 =	sshll.u32 s5, $0x1;
	s5 =	sadd.s32 s21, s3  }
0x9d: {  	[timem:s7], [sflag:s22] =	dma.local [hbm:s5], s20  }
0x9e: {  	_ =	swait.ge [sflag:s22], s20  }
0x9f: {  	s4 =	ssub.s32 $0x0, s20;
	[sflag:s22] =	ssyncset.done $0x0  }
0xa0: {  	[sflag:s22] =	ssyncadd.s32 s4;
	_ =	sdelay $0x1  }
0xa1: {  	s23 =	simm.s32 $0x1B8B  }
0xa2: {  	_ =	swait.ge [sflag:s23], $0x1  }
0xa3: {  	[sflag:s23] =	ssyncset.done $0x0  }
0xa4: {  	s25 =	simm.s32 $0x1B8E;
	s24 =	sld [smem:$0x3FFE];
	[sflag:s23] =	ssyncadd.s32 $0xFFFFFFFF  }
0xa5: {  	s26 =	simm.s32 $execute0_lowered;
	[smem:$0x3FD2] =	sst s25  }
0xa6: {  	s5 =	sshll.u32 s26, $0x1;
	_ =	strace $0x80000046;
	[dreg:$0x1] =	wrdreg $0xFFFFFFFF  }
0xa7: {  	s28 =	simm.s32 $_size_execute0_lowered;
	s3 =	sadd.s32 s3, s5;
	[dreg:$0x0] =	wrdreg $0x0  }
0xa8: {  	s5 =	sshll.u32 s28, $0x1;
	[dreg:$0x2] =	wrdreg s3  }
0xa9: {  	[dreg:$0x3] =	wrdreg s5  }
0xaa: {  	[dreg:$0x4] =	wrdreg $0xC0  }
0xab: {  	_ =	task [dreg:s7], $0x5FFFF  }
0xac: {  	[dreg:$0x1] =	wrdreg $0xFFFFFFFF  }
0xad: {  	[dreg:$0x0] =	wrdreg $0x60  }
0xae: {  	[dreg:$0x2] =	wrdreg s2  }
0xaf: {  	[dreg:$0x3] =	wrdreg s24  }
0xb0: {  	[dreg:$0x4] =	wrdreg $0x9  }
0xb1: {  	_ =	task.clear_ibuf [dreg:s7], $0x5FFFF;
	_ =	strace $0x90000046  }
0xb2: {  	s29 =	simm.s32 $0x9;
	_ =	strace $0x80000048  }
0xb3: {  	_ =	swait.ge [sflag:s29], $0x1  }
0xb4: {  	[sflag:s29] =	ssyncadd.s32 $0xFFFFFFFF  }
0xb5: {  	_ =	strace $0x90000048  }
0xb6: {  	_ =	sfence  }
0xb7: {  	s30 =	sld [smem:$0x0];
	_ =	sdelay $0x2  }
0xb8: {  	s31 =	sshll.u32 s1, $0xD;
	s1 =	sshrl.u32 s1, $0x2  }
0xb9: {  	s3 =	sand.u32 $0x4000, s31;
	s1 =	sadd.s32 s1, s30  }
0xba: {  	s0 =	sor.u32 s3, s0;
	s1 =	sshll.u32 s1, $0x11  }
0xbb: {  	s0 =	sor.u32 s1, s0  }
0xbc: {  	s0 =	sadd.s32 $0x8F2B, s0  }
0xbd: {  	[sflag:s0] =	ssyncadd.remote.s32 $0x1  }
0xbe: {  	_ =	sfence.sel $0xFFFF  }
0xbf: {  	[dreg:$0x0] =	wrdreg $0xFFFFFFFF;
	(pc) =	sbr.abs _section_cstart, $3  }
0xc0: {  	[dreg:$0x1] =	wrdreg $0xFFFFFFFF  }
0xc1: {  	_ =	task.clear_ibuf [dreg:s7], $0x2FFFF;
	_ =	strace $0x9FFFFFFF  }
0xc2: {  	(tm) =	ssettm $0x7FFFFFFF  }
0xc3: {  	_ =	shalt  }
tec
execute0_lowered:
.L_overlay_start_1:
0x0: {  	(tag) =	ssettag $0x1  }
0x1: {  	s6 =	rddreg [dreg:$0x0]  }
0x2: {  	s7 =	rddreg [dreg:$0x1]  }
0x3: {  	s0 =	rddreg [dreg:$0x2];
	s3 =	srdreg.scid  }
0x4: {  	s2 =	simm.s32 $0x0;
	s1 =	stileid.u32;
	s11 =	simm.s32 $0x100  }
0x5: {  	s12 =	simm.s32 $0x900;
	s13 =	simm.s32 $0xD00;
	s14 =	simm.s32 $0x1500  }
0x6: {  	s15 =	simm.s32 $0x1900;
	s16 =	simm.s32 $0x2100;
	s17 =	simm.s32 $0x2500  }
0x7: {  	s18 =	simm.s32 $0x2D00;
	s19 =	simm.s32 $0x3100;
	s20 =	simm.s32 $0x3900  }
0x8: {  	s21 =	simm.s32 $0x3D00;
	s22 =	simm.s32 $0x4500;
	s23 =	simm.s32 $0x4900  }
0x9: {  	s24 =	simm.s32 $0x5100;
	s25 =	simm.s32 $0x5500;
	s26 =	simm.s32 $0x5D00  }
0xa: {  	s28 =	simm.s32 $0x1;
	s3 =	sand.u32 $0x1, s3;
	[smem:$0x7FF] =	sst s2  }
0xb: {  	s5 =	sshll.u32 s1, $0x7;
	s8 =	sshll.u32 s1, $0xA;
	s4 =	sshll.u32 s3, $0x6  }
0xc: {  	_ =	strace $0x80000047;
	s29 =	ssub.s32 $0x2, s3;
	s3 =	sadd.s32 $0x3000, s7  }
0xd: {  	s5 =	sor.u32 s4, s5;
	s4 =	sor.u32 s4, s8;
	s31 =	sshrl.u32 s29, $0x1  }
0xe: {  	s30 =	sshrl.u32 s5, $0x3;
	s4 =	sshrl.u32 s4, $0x3;
	s8 =	ssub.s32 s29, s31  }
0xf: {  	v2 =	vlaneseq.u32;
	s9 =	smul.u32 $0x180, s30;
	s10 =	sadd.s32 s4, s7;
	s7 =	sadd.s32 $0x3100, s7  }
0x10: {  	vm0 =	vmmov $0xffff;
	vm1 =	vmmov $0xff;
	v1 =	vshrl.u32 v2, $0x3;
	s8 =	smax.u32 s8, $0x1;
	s4 =	sadd.s32 $0x2800, s10;
	s5 =	sadd.s32 $0x2810, s10  }
0x11: {  	v0 =	vand.u32 $0x7, v2;
	v2 =	vor.u32 $0x8, v2;
	v1 =	vmul.u32 $0x8, v1;
	s10 =	simm.s32 $0x80;
	s6 =	sadd.s32 s6, s9;
	s9 =	simm.s32 $0x2  }
.LBB2_1:
0x12: {  	[tilespmem:s2], [sflag:$0x2] =	stream.linear.gather [hbm4b:s4+s2], $0x40, $0x38;
	[tilespmem:$0x6100] =	vst v63  }
0x13: {  	_ =	swait.ge [sflag:s9], $0x40  }
0x14: {  	[sflag:s9] =	ssyncset.done $0x0  }
0x15: {  	[sflag:s9] =	ssyncadd.s32 $0xFFFFFFC0  }
0x16: {  	[tilespmem:s10], [sflag:$0x2] =	stream.linear.gather [hbm4b:s5+s2], $0x40, $0x38;
	[tilespmem:$0x6100] =	vst v63  }
0x17: {  	_ =	swait.ge [sflag:s9], $0x40  }
0x18: {  	[sflag:s9] =	ssyncset.done $0x0  }
0x19: {  	[sflag:s9] =	ssyncadd.s32 $0xFFFFFFC0  }
0x1a: {  	[tilespmem:s11], [sflag:$0x2] =	stream.linear.gather [hbm4b:s6+s2], $0x6000, $0x38;
	[tilespmem:$0x6100] =	vst v63  }
0x1b: {  	_ =	swait.ge [sflag:s9], $0x6000  }
0x1c: {  	[sflag:s9] =	ssyncset.done $0x0  }
0x1d: {  	[sflag:s9] =	ssyncadd.s32 $0xFFFFA000  }
0x1e: {  	v3 =	vld [tilespmem:$0x0];
	_ =	sdelay $0x4  }
0x1f: {  	v4 =	vshrl.u32 v3, $0x3  }
0x20: {  	v4 =	vmul.u32 $0x18, v4  }
0x21: {  	v3 =	vand.u32 $0x7, v3  }
0x22: {  	v3 =	vor.u32 v3, v4  }
0x23: {  	v4 =	vperm.xlane v3, v0;
	_ =	sdelay $0x1  }
0x24: {  	v4 =	vadd.s32 v1, v4;
	_ =	sdelay $0x1  }
0x25: {  	v3 =	vperm.xlane v3, v2;
	_ =	sdelay $0x1  }
0x26: {  	v3 =	vadd.s32 v1, v3  }
0x27: {  	[hbm4b:s3+s2] =	stream.indirect_vreg.scatter [tilespmem:s11], [sflag:$0x1], $0x80, v4, vm0, $0xb8;
	[tilespmem:$0x6100] =	vst v63  }
0x28: {  	_ = 	snop  }
0x29: {  	[hbm4b:s7+s2] =	stream.indirect_vreg.scatter [tilespmem:s12], [sflag:$0x1], $0x80, v4, vm1, $0xb8;
	[tilespmem:$0x6100] =	vst v63  }
0x2a: {  	_ = 	snop  }
0x2b: {  	[hbm4b:s3+s2] =	stream.indirect_vreg.scatter [tilespmem:s13], [sflag:$0x1], $0x80, v3, vm0, $0xb8;
	[tilespmem:$0x6100] =	vst v63  }
0x2c: {  	_ = 	snop  }
0x2d: {  	[hbm4b:s7+s2] =	stream.indirect_vreg.scatter [tilespmem:s14], [sflag:$0x1], $0x80, v3, vm1, $0xb8;
	[tilespmem:$0x6100] =	vst v63  }
0x2e: {  	v3 =	vld [tilespmem:$0x10];
	_ =	sdelay $0x4  }
0x2f: {  	v57 =	vshrl.u32 v3, $0x3  }
0x30: {  	v4 =	vmul.u32 $0x18, v57  }
0x31: {  	v3 =	vand.u32 $0x7, v3  }
0x32: {  	v3 =	vor.u32 v3, v4  }
0x33: {  	v4 =	vperm.xlane v3, v0;
	_ =	sdelay $0x1  }
0x34: {  	v4 =	vadd.s32 v1, v4;
	_ =	sdelay $0x1  }
0x35: {  	v3 =	vperm.xlane v3, v2;
	_ =	sdelay $0x1  }
0x36: {  	v3 =	vadd.s32 v1, v3  }
0x37: {  	[hbm4b:s3+s2] =	stream.indirect_vreg.scatter [tilespmem:s15], [sflag:$0x1], $0x80, v4, vm0, $0xb8;
	[tilespmem:$0x6100] =	vst v63  }
0x38: {  	_ = 	snop  }
0x39: {  	[hbm4b:s7+s2] =	stream.indirect_vreg.scatter [tilespmem:s16], [sflag:$0x1], $0x80, v4, vm1, $0xb8;
	[tilespmem:$0x6100] =	vst v63  }
0x3a: {  	_ = 	snop  }
0x3b: {  	[hbm4b:s3+s2] =	stream.indirect_vreg.scatter [tilespmem:s17], [sflag:$0x1], $0x80, v3, vm0, $0xb8;
	[tilespmem:$0x6100] =	vst v63  }
0x3c: {  	_ = 	snop  }
0x3d: {  	[hbm4b:s7+s2] =	stream.indirect_vreg.scatter [tilespmem:s18], [sflag:$0x1], $0x80, v3, vm1, $0xb8;
	[tilespmem:$0x6100] =	vst v63  }
0x3e: {  	v3 =	vld [tilespmem:$0x20];
	_ =	sdelay $0x4  }
0x3f: {  	v58 =	vshrl.u32 v3, $0x3  }
0x40: {  	v4 =	vmul.u32 $0x18, v58  }
0x41: {  	v3 =	vand.u32 $0x7, v3  }
0x42: {  	v3 =	vor.u32 v3, v4  }
0x43: {  	v4 =	vperm.xlane v3, v0;
	_ =	sdelay $0x1  }
0x44: {  	v4 =	vadd.s32 v1, v4;
	_ =	sdelay $0x1  }
0x45: {  	v3 =	vperm.xlane v3, v2;
	_ =	sdelay $0x1  }
0x46: {  	v3 =	vadd.s32 v1, v3  }
0x47: {  	[hbm4b:s3+s2] =	stream.indirect_vreg.scatter [tilespmem:s19], [sflag:$0x1], $0x80, v4, vm0, $0xb8;
	[tilespmem:$0x6100] =	vst v63  }
0x48: {  	_ = 	snop  }
0x49: {  	[hbm4b:s7+s2] =	stream.indirect_vreg.scatter [tilespmem:s20], [sflag:$0x1], $0x80, v4, vm1, $0xb8;
	[tilespmem:$0x6100] =	vst v63  }
0x4a: {  	_ = 	snop  }
0x4b: {  	[hbm4b:s3+s2] =	stream.indirect_vreg.scatter [tilespmem:s21], [sflag:$0x1], $0x80, v3, vm0, $0xb8;
	[tilespmem:$0x6100] =	vst v63  }
0x4c: {  	_ = 	snop  }
0x4d: {  	[hbm4b:s7+s2] =	stream.indirect_vreg.scatter [tilespmem:s22], [sflag:$0x1], $0x80, v3, vm1, $0xb8;
	[tilespmem:$0x6100] =	vst v63  }
0x4e: {  	v3 =	vld [tilespmem:$0x30];
	_ =	sdelay $0x4  }
0x4f: {  	v59 =	vshrl.u32 v3, $0x3  }
0x50: {  	v4 =	vmul.u32 $0x18, v59  }
0x51: {  	v3 =	vand.u32 $0x7, v3  }
0x52: {  	v3 =	vor.u32 v3, v4  }
0x53: {  	v4 =	vperm.xlane v3, v0;
	_ =	sdelay $0x1  }
0x54: {  	v4 =	vadd.s32 v1, v4;
	_ =	sdelay $0x1  }
0x55: {  	v3 =	vperm.xlane v3, v2;
	_ =	sdelay $0x1  }
0x56: {  	v3 =	vadd.s32 v1, v3  }
0x57: {  	[hbm4b:s3+s2] =	stream.indirect_vreg.scatter [tilespmem:s23], [sflag:$0x1], $0x80, v4, vm0, $0xb8;
	[tilespmem:$0x6100] =	vst v63  }
0x58: {  	_ = 	snop  }
0x59: {  	[hbm4b:s7+s2] =	stream.indirect_vreg.scatter [tilespmem:s24], [sflag:$0x1], $0x80, v4, vm1, $0xb8;
	[tilespmem:$0x6100] =	vst v63  }
0x5a: {  	_ = 	snop  }
0x5b: {  	[hbm4b:s3+s2] =	stream.indirect_vreg.scatter [tilespmem:s25], [sflag:$0x1], $0x80, v3, vm0, $0xb8;
	[tilespmem:$0x6100] =	vst v63  }
0x5c: {  	_ = 	snop  }
0x5d: {  	[hbm4b:s7+s2] =	stream.indirect_vreg.scatter [tilespmem:s26], [sflag:$0x1], $0x80, v3, vm1, $0xb8;
	[tilespmem:$0x6100] =	vst v63  }
0x5e: {  	v3 =	vld [tilespmem:$0x80];
	_ =	sdelay $0x4  }
0x5f: {  	v60 =	vshrl.u32 v3, $0x3  }
0x60: {  	v4 =	vmul.u32 $0x18, v60  }
0x61: {  	v3 =	vand.u32 $0x7, v3  }
0x62: {  	v3 =	vor.u32 v3, v4  }
0x63: {  	v4 =	vperm.xlane v3, v0;
	_ =	sdelay $0x1  }
0x64: {  	v4 =	vadd.s32 v1, v4;
	_ =	sdelay $0x1  }
0x65: {  	v3 =	vperm.xlane v3, v2;
	_ =	sdelay $0x1  }
0x66: {  	v3 =	vadd.s32 v1, v3  }
0x67: {  	[hbm4b:s3+s2] =	stream.indirect_vreg.scatter [tilespmem:s11], [sflag:$0x1], $0x80, v4, vm0, $0xb8;
	[tilespmem:$0x6100] =	vst v63  }
0x68: {  	_ = 	snop  }
0x69: {  	[hbm4b:s7+s2] =	stream.indirect_vreg.scatter [tilespmem:s12], [sflag:$0x1], $0x80, v4, vm1, $0xb8;
	[tilespmem:$0x6100] =	vst v63  }
0x6a: {  	_ = 	snop  }
0x6b: {  	[hbm4b:s3+s2] =	stream.indirect_vreg.scatter [tilespmem:s13], [sflag:$0x1], $0x80, v3, vm0, $0xb8;
	[tilespmem:$0x6100] =	vst v63  }
0x6c: {  	_ = 	snop  }
0x6d: {  	[hbm4b:s7+s2] =	stream.indirect_vreg.scatter [tilespmem:s14], [sflag:$0x1], $0x80, v3, vm1, $0xb8;
	[tilespmem:$0x6100] =	vst v63  }
0x6e: {  	v3 =	vld [tilespmem:$0x90];
	_ =	sdelay $0x4  }
0x6f: {  	v61 =	vshrl.u32 v3, $0x3  }
0x70: {  	v4 =	vmul.u32 $0x18, v61  }
0x71: {  	v3 =	vand.u32 $0x7, v3  }
0x72: {  	v3 =	vor.u32 v3, v4  }
0x73: {  	v4 =	vperm.xlane v3, v0;
	_ =	sdelay $0x1  }
0x74: {  	v4 =	vadd.s32 v1, v4;
	_ =	sdelay $0x1  }
0x75: {  	v3 =	vperm.xlane v3, v2;
	_ =	sdelay $0x1  }
0x76: {  	v3 =	vadd.s32 v1, v3  }
0x77: {  	[hbm4b:s3+s2] =	stream.indirect_vreg.scatter [tilespmem:s15], [sflag:$0x1], $0x80, v4, vm0, $0xb8;
	[tilespmem:$0x6100] =	vst v63  }
0x78: {  	_ = 	snop  }
0x79: {  	[hbm4b:s7+s2] =	stream.indirect_vreg.scatter [tilespmem:s16], [sflag:$0x1], $0x80, v4, vm1, $0xb8;
	[tilespmem:$0x6100] =	vst v63  }
0x7a: {  	_ = 	snop  }
0x7b: {  	[hbm4b:s3+s2] =	stream.indirect_vreg.scatter [tilespmem:s17], [sflag:$0x1], $0x80, v3, vm0, $0xb8;
	[tilespmem:$0x6100] =	vst v63  }
0x7c: {  	_ = 	snop  }
0x7d: {  	[hbm4b:s7+s2] =	stream.indirect_vreg.scatter [tilespmem:s18], [sflag:$0x1], $0x80, v3, vm1, $0xb8;
	[tilespmem:$0x6100] =	vst v63  }
0x7e: {  	v3 =	vld [tilespmem:$0xA0];
	_ =	sdelay $0x4  }
0x7f: {  	v62 =	vshrl.u32 v3, $0x3  }
0x80: {  	v4 =	vmul.u32 $0x18, v62  }
0x81: {  	v3 =	vand.u32 $0x7, v3  }
0x82: {  	v3 =	vor.u32 v3, v4  }
0x83: {  	v4 =	vperm.xlane v3, v0;
	_ =	sdelay $0x1  }
0x84: {  	v4 =	vadd.s32 v1, v4;
	_ =	sdelay $0x1  }
0x85: {  	v3 =	vperm.xlane v3, v2;
	_ =	sdelay $0x1  }
0x86: {  	v3 =	vadd.s32 v1, v3  }
0x87: {  	[hbm4b:s3+s2] =	stream.indirect_vreg.scatter [tilespmem:s19], [sflag:$0x1], $0x80, v4, vm0, $0xb8;
	[tilespmem:$0x6100] =	vst v63  }
0x88: {  	_ = 	snop  }
0x89: {  	[hbm4b:s7+s2] =	stream.indirect_vreg.scatter [tilespmem:s20], [sflag:$0x1], $0x80, v4, vm1, $0xb8;
	[tilespmem:$0x6100] =	vst v63  }
0x8a: {  	_ = 	snop  }
0x8b: {  	[hbm4b:s3+s2] =	stream.indirect_vreg.scatter [tilespmem:s21], [sflag:$0x1], $0x80, v3, vm0, $0xb8;
	[tilespmem:$0x6100] =	vst v63  }
0x8c: {  	_ = 	snop  }
0x8d: {  	[hbm4b:s7+s2] =	stream.indirect_vreg.scatter [tilespmem:s22], [sflag:$0x1], $0x80, v3, vm1, $0xb8;
	[tilespmem:$0x6100] =	vst v63  }
0x8e: {  	v3 =	vld [tilespmem:$0xB0];
	_ =	sdelay $0x4  }
0x8f: {  	v63 =	vshrl.u32 v3, $0x3  }
0x90: {  	v4 =	vmul.u32 $0x18, v63  }
0x91: {  	v3 =	vand.u32 $0x7, v3  }
0x92: {  	v3 =	vor.u32 v3, v4  }
0x93: {  	v4 =	vperm.xlane v3, v0;
	_ =	sdelay $0x1  }
0x94: {  	v4 =	vadd.s32 v1, v4;
	_ =	sdelay $0x1  }
0x95: {  	v3 =	vperm.xlane v3, v2;
	_ =	sdelay $0x1  }
0x96: {  	v3 =	vadd.s32 v1, v3  }
0x97: {  	[hbm4b:s3+s2] =	stream.indirect_vreg.scatter [tilespmem:s23], [sflag:$0x1], $0x80, v4, vm0, $0xb8;
	[tilespmem:$0x6100] =	vst v63  }
0x98: {  	_ = 	snop  }
0x99: {  	[hbm4b:s7+s2] =	stream.indirect_vreg.scatter [tilespmem:s24], [sflag:$0x1], $0x80, v4, vm1, $0xb8;
	[tilespmem:$0x6100] =	vst v63  }
0x9a: {  	_ = 	snop  }
0x9b: {  	[hbm4b:s3+s2] =	stream.indirect_vreg.scatter [tilespmem:s25], [sflag:$0x1], $0x80, v3, vm0, $0xb8;
	[tilespmem:$0x6100] =	vst v63  }
0x9c: {  	_ = 	snop  }
0x9d: {  	[hbm4b:s7+s2] =	stream.indirect_vreg.scatter [tilespmem:s26], [sflag:$0x1], $0x80, v3, vm1, $0xb8;
	[tilespmem:$0x6100] =	vst v63  }
0x9e: {  	p0 =	sne.s32 s8, $0x1;
	_ =	swait.ge [sflag:s28], $0x6000  }
.Ltmp0:
0x9f: {  	[sflag:s28] =	ssyncset.done $0x0;
	(pc) =	sbr.rel @p0 .LBB2_1-.Ltmp0, $4  }
0xa0: {  	[sflag:s28] =	ssyncadd.s32 $0xFFFFA000  }
0xa1: {  	_ =	swait.ge [sflag:s28], $0x6000  }
0xa2: {  	[sflag:s28] =	ssyncset.done $0x0  }
0xa3: {  	s8 =	sadd.s32 $0xFFFFFFFF, s8;
	[sflag:s28] =	ssyncadd.s32 $0xFFFFA000  }
0xa4: {  	_ =	sfence.sel $0x180000  }
0xa5: {  	[bflag:$0x0] =	sbarrier.arrive $0xFFFF  }
0xa6: {  	p0 =	sne.s32 s1, $0x0;
	_ =	strace $0x90000047  }
0xa7: {  	s0 =	sadd.s32 @!p0 $0x100000, s0;
	[bflag:$0x2] =	sbarrier.arrive $0xFFFF  }
0xa8: {  	[sflag:s0] =	ssyncadd.tile.s32 @!p0 $0x1;
	_ =	shalt  }
.Lfunc_end2:
_tile_overlayer_lowered:
.L_overlay_start_2:
0xa9: {  	(tag) =	ssettag $0x2  }
0xaa: {  	s0 =	rddreg [dreg:$0x0];
	s2 =	stileid.u32  }
0xab: {  	s1 =	rddreg [dreg:$0x1];
	p0 =	sne.s32 s2, $0x0  }
0xac: {  	s3 =	rddreg [dreg:$0x2];
	[bflag:$0x3] =	sbarrier.arrive $0xFFFF;
	s2 =	simm.s32 @!p0 $0x1C02  }
0xad: {  	[timem:s3], [sflag:s2] =	dma.local @!p0 [hbm:s0], s1  }
0xae: {  	s0 =	simm.s32 @!p0 $0x2  }
0xaf: {  	_ =	swait.ge @!p0 [sflag:s0], s1  }
0xb0: {  	s1 =	ssub.s32 @!p0 $0x0, s1;
	[sflag:s0] =	ssyncset.done @!p0 $0x0  }
0xb1: {  	[sflag:s0] =	ssyncadd.s32 @!p0 s1  }
0xb2: {  	[bflag:$0x3] =	sbarrier.arrive $0xFFFF  }
0xb3: {  	_ =	shalt  }

</sc_bundles>
